<compile_context>
chip_gen: v7x
topology: tpu7x:2x2x1
jax: 0.10.2.dev20260603
libtpu: 0.0.44.dev20260713+nightly
codegen_flags: <defaults>
</compile_context>

<pallas_src>
import functools

import jax
import jax.numpy as jnp
from jax import lax
from jax.experimental import pallas as pl
from jax.experimental.pallas import tpu as pltpu
from jax.experimental.pallas import tpu_sc as plsc

_CHUNK = 4


def _logits_kernel(x_ref, rw_ref, out_ref):
    out_ref[...] = jnp.dot(x_ref[...], rw_ref[...],
                           preferred_element_type=jnp.float32)


def _sc_route_body(logits_hbm, out_hbm, lbuf, obuf, *, rows_per_worker, n_experts):
    info = plsc.get_sparse_core_info()
    wid = lax.axis_index("s") * info.num_cores + lax.axis_index("c")
    base = wid * rows_per_worker
    pltpu.sync_copy(logits_hbm.at[pl.ds(base, rows_per_worker)], lbuf)
    iota = lax.broadcasted_iota(jnp.int32, (16,), 0)
    for t in range(rows_per_worker):
        v = lbuf[t, :]
        m1 = jnp.max(v)
        i1 = jnp.min(jnp.where(v == m1, iota, n_experts))
        masked = jnp.where(iota == i1, -jnp.inf, v)
        m2 = jnp.max(masked)
        i2 = jnp.min(jnp.where(masked == m2, iota, n_experts))
        p1 = 1.0 / (1.0 + jnp.exp(jnp.broadcast_to(m2 - m1, (16,))))
        comb = jnp.where(iota == i1, p1,
                         jnp.where(iota == i2, 1.0 - p1, 0.0))
        obuf[t, :] = comb
    pltpu.sync_copy(obuf, out_hbm.at[pl.ds(base, rows_per_worker)])


def _moe_kernel(x_ref, wcomb_ref, bcomb_ref, wbank_hbm, bbank_ref, out_ref,
                wbuf, sems, *, n_experts):
    n_chunks = n_experts // _CHUNK
    for c in range(n_chunks):
        sl = pl.ds(c * _CHUNK, _CHUNK)
        pltpu.make_async_copy(wbank_hbm.at[sl], wbuf.at[sl], sems.at[c]).start()

    x = x_ref[...]
    w_comb = wcomb_ref[...]
    acc = jnp.dot(bcomb_ref[...], bbank_ref[...],
                  preferred_element_type=jnp.float32)
    for c in range(n_chunks):
        sl = pl.ds(c * _CHUNK, _CHUNK)
        pltpu.make_async_copy(wbank_hbm.at[sl], wbuf.at[sl], sems.at[c]).wait()
        for e in range(c * _CHUNK, (c + 1) * _CHUNK):
            y = jnp.dot(x, wbuf[e], preferred_element_type=jnp.float32)
            acc = acc + w_comb[:, e][:, None] * y
    out_ref[...] = acc


@jax.jit
def kernel(input_batch, router_w, bias_router_w, weight_bank, bias_bank):
    b, d = input_batch.shape
    e, _, o = weight_bank.shape

    rw_cat = jnp.concatenate([router_w, bias_router_w], axis=1)
    logits = pl.pallas_call(
        _logits_kernel,
        out_shape=jax.ShapeDtypeStruct((b, 2 * e), jnp.float32),
        in_specs=[
            pl.BlockSpec((b, d), lambda: (0, 0)),
            pl.BlockSpec((d, 2 * e), lambda: (0, 0)),
        ],
        out_specs=pl.BlockSpec((b, 2 * e), lambda: (0, 0)),
    )(input_batch, rw_cat)

    rows = jnp.concatenate([logits[:, :e], logits[:, e:]], axis=0)

    info = plsc.get_sparse_core_info()
    n_workers = info.num_cores * info.num_subcores
    rpw = (2 * b) // n_workers
    mesh = plsc.VectorSubcoreMesh(core_axis_name="c", subcore_axis_name="s")
    comb = pl.kernel(
        functools.partial(_sc_route_body, rows_per_worker=rpw, n_experts=e),
        out_type=jax.ShapeDtypeStruct((2 * b, e), jnp.float32),
        mesh=mesh,
        scratch_types=[
            pltpu.VMEM((rpw, e), jnp.float32),
            pltpu.VMEM((rpw, e), jnp.float32),
        ],
        compiler_params=pltpu.CompilerParams(needs_layout_passes=False),
    )(rows)

    w_comb, b_comb = comb[:b], comb[b:]

    return pl.pallas_call(
        functools.partial(_moe_kernel, n_experts=e),
        out_shape=jax.ShapeDtypeStruct((b, o), jnp.float32),
        in_specs=[
            pl.BlockSpec((b, d), lambda: (0, 0)),
            pl.BlockSpec((b, e), lambda: (0, 0)),
            pl.BlockSpec((b, e), lambda: (0, 0)),
            pl.BlockSpec(memory_space=pl.ANY),
            pl.BlockSpec((e, o), lambda: (0, 0)),
        ],
        out_specs=pl.BlockSpec((b, o), lambda: (0, 0)),
        scratch_shapes=[
            pltpu.VMEM((e, d, o), jnp.float32),
            pltpu.SemaphoreType.DMA((e // _CHUNK,)),
        ],
    )(input_batch, w_comb, b_comb, weight_bank, bias_bank)

# --- scband reference (transcript-rebuilt; emitter-appended) ---
"""Pipeline reference for scband-parameter-layer-base-13211319402579 (READ-ONLY COPY).

The authoritative reference and input builder live on the scoring server;
editing this copy changes nothing except your own understanding.
"""

import jax, jax.numpy as jnp
import numpy as np

B, D, O, E, TOP_K = 256, 768, 256, 16, 2


def setup_inputs(seed: int = 0) -> dict:
    key = jax.random.key(seed)
    ks = jax.random.split(key, 5)
    return {
        "input_batch": jax.random.normal(ks[0], (B, D), dtype=jnp.float32),
        "router_w": jax.random.normal(ks[1], (D, E), dtype=jnp.float32) * 0.02,
        "bias_router_w": jax.random.normal(ks[2], (D, E), dtype=jnp.float32) * 0.02,
        "weight_bank": jax.random.normal(ks[3], (E, D, O), dtype=jnp.float32) * 0.02,
        "bias_bank": jax.random.normal(ks[4], (E, O), dtype=jnp.float32) * 0.02,
    }


def _sample_probabilities_and_indices(logits):
    # sampler.sample_probabilities_and_indices: softmax -> top-k -> renormalize
    probs = jax.nn.softmax(logits, axis=-1)
    top_p, top_i = jax.lax.top_k(probs, TOP_K)
    top_p = top_p / jnp.sum(top_p, axis=-1, keepdims=True)
    return top_p, top_i


def reference(input_batch, router_w, bias_router_w, weight_bank, bias_bank):
    # weight router logits -> probabilities/indices
    w_logits = input_batch @ router_w
    w_probs, w_idx = _sample_probabilities_and_indices(w_logits)
    # bias router logits -> probabilities/indices (bias_parameters_flag=True)
    b_logits = input_batch @ bias_router_w
    b_probs, b_idx = _sample_probabilities_and_indices(b_logits)
    # mixture.compute_mixture: gather expert parameter banks and mix by probabilities
    gathered_w = jnp.take(weight_bank, w_idx, axis=0)          # [B, k, D, O]
    generated_weights = jnp.einsum('bk,bkij->bij', w_probs, gathered_w)  # [B, D, O]
    gathered_b = jnp.take(bias_bank, b_idx, axis=0)            # [B, k, O]
    generated_biases = jnp.einsum('bk,bkj->bj', b_probs, gathered_b)     # [B, O]
    # _apply_generated_weights: einsum('bi,bij->bj')
    output = jnp.einsum('bi,bij->bj', input_batch, generated_weights)
    # _apply_generated_biases
    output = output + generated_biases
    return output

if __name__ == "__main__":
    import jax
    _d = setup_inputs()
    print(jax.jit(kernel)(*tuple(_d.values())))

</pallas_src>

<mosaic_0001>
#map = affine_map<(d0, d1) -> (0, 0)>
module attributes {stable_mosaic.version = 14 : i64} {
  func.func @_sc_route_body(%arg0: i32, %arg1: i32, %arg2: memref<512x16xf32, #tpu.memory_space<hbm>>, %arg3: memref<512x16xf32, #tpu.memory_space<hbm>>, %arg4: memref<16x16xf32, #tpu.memory_space<vmem>>, %arg5: memref<16x16xf32, #tpu.memory_space<vmem>>) attributes {dimension_semantics = [#tpu.dimension_semantics<core_parallel>, #tpu.dimension_semantics<subcore_parallel>], iteration_bounds = array<i64: 2, 16>, scalar_prefetch = 0 : i64, scratch_operands = 2 : i64, tpu.core_type = #tpu.core_type<sc_vector_subcore>, window_params = [{transform_indices = #map}, {transform_indices = #map}]} {
    %mul3A = arith.constant 2 : i32
    %mul3A_0 = arith.muli %arg1, %mul3A : i32
    %add3A = arith.addi %mul3A_0, %arg0 : i32
    %mul3A_1 = arith.constant 16 : i32
    %mul3A_2 = arith.muli %add3A, %mul3A_1 : i32
    "tpu.region"() ({
      %run_scoped3A = tpu.sem_alloc : memref<!tpu.dma_semaphore, #tpu.memory_space<semaphore_mem>>
      %dma_start3A = arith.constant 0 : i32
      %dma_start3A_1064 = tpu.memref_slice %arg2[%mul3A_2, %dma_start3A] : memref<512x16xf32, #tpu.memory_space<hbm>> -> memref<16x16xf32, #tpu.memory_space<hbm>>
      %dma_start3A_1065 = arith.constant 0 : i32
      %dma_start3A_1066 = tpu.memref_slice %arg2[%mul3A_2, %dma_start3A_1065] : memref<512x16xf32, #tpu.memory_space<hbm>> -> memref<16x16xf32, #tpu.memory_space<hbm>>
      tpu.enqueue_dma source(%dma_start3A_1066 : memref<16x16xf32, #tpu.memory_space<hbm>>) target(%arg4 : memref<16x16xf32, #tpu.memory_space<vmem>>) target_semaphore(%run_scoped3A : memref<!tpu.dma_semaphore, #tpu.memory_space<semaphore_mem>>)
      %dma_wait3A = arith.constant 0 : i32
      %dma_wait3A_1067 = tpu.memref_slice %arg2[%mul3A_2, %dma_wait3A] : memref<512x16xf32, #tpu.memory_space<hbm>> -> memref<16x16xf32, #tpu.memory_space<hbm>>
      %dma_wait3A_1068 = arith.constant 0 : i32
      %dma_wait3A_1069 = tpu.memref_slice %arg2[%mul3A_2, %dma_wait3A_1068] : memref<512x16xf32, #tpu.memory_space<hbm>> -> memref<16x16xf32, #tpu.memory_space<hbm>>
      tpu.wait_dma2 semaphore(%run_scoped3A : memref<!tpu.dma_semaphore, #tpu.memory_space<semaphore_mem>>) src(%dma_wait3A_1069 : memref<16x16xf32, #tpu.memory_space<hbm>>) dst(%arg4 : memref<16x16xf32, #tpu.memory_space<vmem>>)
      tpu.yield
    }) : () -> ()
    %iota3A = tpu.iota {dimensions = array<i32: 0>} : vector<16xi32>
    %get3A = arith.constant 0 : i32
    %get3A_3 = arith.index_cast %get3A : i32 to index
    %get3A_4 = arith.constant 0 : index
    %get3A_5 = tpu.vector_load %arg4[%get3A_3, %get3A_4] {strides = array<i32>} : memref<16x16xf32, #tpu.memory_space<vmem>>, vector<16xf32>,
    %reduce_max3A = arith.constant true
    %reduce_max3A_6 = vector.broadcast %reduce_max3A : i1 to vector<16xi1>
    %reduce_max3A_7 = tpu.scan <max>, %get3A_5 masked %reduce_max3A_6 : vector<16xf32>, vector<16xi1> -> vector<16xf32>
    %reduce_max3A_8 = vector.extract %reduce_max3A_7[15] : f32 from vector<16xf32>
    %eq3A = vector.broadcast %reduce_max3A_8 : f32 to vector<16xf32>
    %eq3A_9 = arith.cmpf oeq, %get3A_5, %eq3A : vector<16xf32>
    %jit3A = arith.constant 16 : i32
    %broadcast_in_dim3A = vector.broadcast %jit3A : i32 to vector<16xi32>
    %select_n3A = arith.select %eq3A_9, %iota3A, %broadcast_in_dim3A : vector<16xi1>, vector<16xi32>
    %reduce_min3A = arith.constant true
    %reduce_min3A_10 = vector.broadcast %reduce_min3A : i1 to vector<16xi1>
    %reduce_min3A_11 = arith.constant -2147483648 : i32
    %reduce_min3A_12 = vector.broadcast %reduce_min3A_11 : i32 to vector<16xi32>
    %reduce_min3A_13 = arith.xori %select_n3A, %reduce_min3A_12 : vector<16xi32>
    %reduce_min3A_14 = tpu.scan <min>, %reduce_min3A_13 masked %reduce_min3A_10 : vector<16xi32>, vector<16xi1> -> vector<16xi32>
    %reduce_min3A_15 = arith.xori %reduce_min3A_14, %reduce_min3A_12 : vector<16xi32>
    %reduce_min3A_16 = vector.extract %reduce_min3A_15[15] : i32 from vector<16xi32>
    %eq3A_17 = vector.broadcast %reduce_min3A_16 : i32 to vector<16xi32>
    %eq3A_18 = arith.cmpi eq, %iota3A, %eq3A_17 : vector<16xi32>
    %jit3A_19 = arith.constant 0xFF800000 : f32
    %broadcast_in_dim3A_20 = vector.broadcast %jit3A_19 : f32 to vector<16xf32>
    %select_n3A_21 = arith.select %eq3A_18, %broadcast_in_dim3A_20, %get3A_5 : vector<16xi1>, vector<16xf32>
    %reduce_max3A_22 = arith.constant true
    %reduce_max3A_23 = vector.broadcast %reduce_max3A_22 : i1 to vector<16xi1>
    %reduce_max3A_24 = tpu.scan <max>, %select_n3A_21 masked %reduce_max3A_23 : vector<16xf32>, vector<16xi1> -> vector<16xf32>
    %reduce_max3A_25 = vector.extract %reduce_max3A_24[15] : f32 from vector<16xf32>
    %eq3A_26 = vector.broadcast %reduce_max3A_25 : f32 to vector<16xf32>
    %eq3A_27 = arith.cmpf oeq, %select_n3A_21, %eq3A_26 : vector<16xf32>
    %jit3A_28 = arith.constant 16 : i32
    %broadcast_in_dim3A_29 = vector.broadcast %jit3A_28 : i32 to vector<16xi32>
    %select_n3A_30 = arith.select %eq3A_27, %iota3A, %broadcast_in_dim3A_29 : vector<16xi1>, vector<16xi32>
    %reduce_min3A_31 = arith.constant true
    %reduce_min3A_32 = vector.broadcast %reduce_min3A_31 : i1 to vector<16xi1>
    %reduce_min3A_33 = arith.constant -2147483648 : i32
    %reduce_min3A_34 = vector.broadcast %reduce_min3A_33 : i32 to vector<16xi32>
    %reduce_min3A_35 = arith.xori %select_n3A_30, %reduce_min3A_34 : vector<16xi32>
    %reduce_min3A_36 = tpu.scan <min>, %reduce_min3A_35 masked %reduce_min3A_32 : vector<16xi32>, vector<16xi1> -> vector<16xi32>
    %reduce_min3A_37 = arith.xori %reduce_min3A_36, %reduce_min3A_34 : vector<16xi32>
    %reduce_min3A_38 = vector.extract %reduce_min3A_37[15] : i32 from vector<16xi32>
    %sub3A = arith.subf %reduce_max3A_25, %reduce_max3A_8 : f32
    %broadcast_in_dim3A_39 = vector.broadcast %sub3A : f32 to vector<16xf32>
    %exp3A = math.exp %broadcast_in_dim3A_39 : vector<16xf32>
    %add3A_40 = arith.constant 1.000000e+00 : f32
    %add3A_41 = vector.broadcast %add3A_40 : f32 to vector<16xf32>
    %add3A_42 = arith.addf %add3A_41, %exp3A : vector<16xf32>
    %div3A = arith.constant 1.000000e+00 : f32
    %div3A_43 = vector.broadcast %div3A : f32 to vector<16xf32>
    %div3A_44 = arith.divf %div3A_43, %add3A_42 : vector<16xf32>
    %eq3A_45 = vector.broadcast %reduce_min3A_16 : i32 to vector<16xi32>
    %eq3A_46 = arith.cmpi eq, %iota3A, %eq3A_45 : vector<16xi32>
    %eq3A_47 = vector.broadcast %reduce_min3A_38 : i32 to vector<16xi32>
    %eq3A_48 = arith.cmpi eq, %iota3A, %eq3A_47 : vector<16xi32>
    %sub3A_49 = arith.constant 1.000000e+00 : f32
    %sub3A_50 = vector.broadcast %sub3A_49 : f32 to vector<16xf32>
    %sub3A_51 = arith.subf %sub3A_50, %div3A_44 : vector<16xf32>
    %jit3A_52 = arith.constant 0.000000e+00 : f32
    %broadcast_in_dim3A_53 = vector.broadcast %jit3A_52 : f32 to vector<16xf32>
    %select_n3A_54 = arith.select %eq3A_48, %sub3A_51, %broadcast_in_dim3A_53 : vector<16xi1>, vector<16xf32>
    %select_n3A_55 = arith.select %eq3A_46, %div3A_44, %select_n3A_54 : vector<16xi1>, vector<16xf32>
    %swap3A = arith.constant 0 : i32
    %swap3A_56 = arith.index_cast %swap3A : i32 to index
    %swap3A_57 = arith.constant 0 : index
    %swap3A_58 = tpu.vector_load %arg5[%swap3A_56, %swap3A_57] {strides = array<i32>} : memref<16x16xf32, #tpu.memory_space<vmem>>, vector<16xf32>,
    tpu.vector_store %arg5[%swap3A_56, %swap3A_57], %select_n3A_55 {strides = array<i32>} : memref<16x16xf32, #tpu.memory_space<vmem>>, vector<16xf32>,
    %get3A_59 = arith.constant 1 : i32
    %get3A_60 = arith.index_cast %get3A_59 : i32 to index
    %get3A_61 = arith.constant 0 : index
    %get3A_62 = tpu.vector_load %arg4[%get3A_60, %get3A_61] {strides = array<i32>} : memref<16x16xf32, #tpu.memory_space<vmem>>, vector<16xf32>,
    %reduce_max3A_63 = arith.constant true
    %reduce_max3A_64 = vector.broadcast %reduce_max3A_63 : i1 to vector<16xi1>
    %reduce_max3A_65 = tpu.scan <max>, %get3A_62 masked %reduce_max3A_64 : vector<16xf32>, vector<16xi1> -> vector<16xf32>
    %reduce_max3A_66 = vector.extract %reduce_max3A_65[15] : f32 from vector<16xf32>
    %eq3A_67 = vector.broadcast %reduce_max3A_66 : f32 to vector<16xf32>
    %eq3A_68 = arith.cmpf oeq, %get3A_62, %eq3A_67 : vector<16xf32>
    %jit3A_69 = arith.constant 16 : i32
    %broadcast_in_dim3A_70 = vector.broadcast %jit3A_69 : i32 to vector<16xi32>
    %select_n3A_71 = arith.select %eq3A_68, %iota3A, %broadcast_in_dim3A_70 : vector<16xi1>, vector<16xi32>
    %reduce_min3A_72 = arith.constant true
    %reduce_min3A_73 = vector.broadcast %reduce_min3A_72 : i1 to vector<16xi1>
    %reduce_min3A_74 = arith.constant -2147483648 : i32
    %reduce_min3A_75 = vector.broadcast %reduce_min3A_74 : i32 to vector<16xi32>
    %reduce_min3A_76 = arith.xori %select_n3A_71, %reduce_min3A_75 : vector<16xi32>
    %reduce_min3A_77 = tpu.scan <min>, %reduce_min3A_76 masked %reduce_min3A_73 : vector<16xi32>, vector<16xi1> -> vector<16xi32>
    %reduce_min3A_78 = arith.xori %reduce_min3A_77, %reduce_min3A_75 : vector<16xi32>
    %reduce_min3A_79 = vector.extract %reduce_min3A_78[15] : i32 from vector<16xi32>
    %eq3A_80 = vector.broadcast %reduce_min3A_79 : i32 to vector<16xi32>
    %eq3A_81 = arith.cmpi eq, %iota3A, %eq3A_80 : vector<16xi32>
    %jit3A_82 = arith.constant 0xFF800000 : f32
    %broadcast_in_dim3A_83 = vector.broadcast %jit3A_82 : f32 to vector<16xf32>
    %select_n3A_84 = arith.select %eq3A_81, %broadcast_in_dim3A_83, %get3A_62 : vector<16xi1>, vector<16xf32>
    %reduce_max3A_85 = arith.constant true
    %reduce_max3A_86 = vector.broadcast %reduce_max3A_85 : i1 to vector<16xi1>
    %reduce_max3A_87 = tpu.scan <max>, %select_n3A_84 masked %reduce_max3A_86 : vector<16xf32>, vector<16xi1> -> vector<16xf32>
    %reduce_max3A_88 = vector.extract %reduce_max3A_87[15] : f32 from vector<16xf32>
    %eq3A_89 = vector.broadcast %reduce_max3A_88 : f32 to vector<16xf32>
    %eq3A_90 = arith.cmpf oeq, %select_n3A_84, %eq3A_89 : vector<16xf32>
    %jit3A_91 = arith.constant 16 : i32
    %broadcast_in_dim3A_92 = vector.broadcast %jit3A_91 : i32 to vector<16xi32>
    %select_n3A_93 = arith.select %eq3A_90, %iota3A, %broadcast_in_dim3A_92 : vector<16xi1>, vector<16xi32>
    %reduce_min3A_94 = arith.constant true
    %reduce_min3A_95 = vector.broadcast %reduce_min3A_94 : i1 to vector<16xi1>
    %reduce_min3A_96 = arith.constant -2147483648 : i32
    %reduce_min3A_97 = vector.broadcast %reduce_min3A_96 : i32 to vector<16xi32>
    %reduce_min3A_98 = arith.xori %select_n3A_93, %reduce_min3A_97 : vector<16xi32>
    %reduce_min3A_99 = tpu.scan <min>, %reduce_min3A_98 masked %reduce_min3A_95 : vector<16xi32>, vector<16xi1> -> vector<16xi32>
    %reduce_min3A_100 = arith.xori %reduce_min3A_99, %reduce_min3A_97 : vector<16xi32>
    %reduce_min3A_101 = vector.extract %reduce_min3A_100[15] : i32 from vector<16xi32>
    %sub3A_102 = arith.subf %reduce_max3A_88, %reduce_max3A_66 : f32
    %broadcast_in_dim3A_103 = vector.broadcast %sub3A_102 : f32 to vector<16xf32>
    %exp3A_104 = math.exp %broadcast_in_dim3A_103 : vector<16xf32>
    %add3A_105 = arith.constant 1.000000e+00 : f32
    %add3A_106 = vector.broadcast %add3A_105 : f32 to vector<16xf32>
    %add3A_107 = arith.addf %add3A_106, %exp3A_104 : vector<16xf32>
    %div3A_108 = arith.constant 1.000000e+00 : f32
    %div3A_109 = vector.broadcast %div3A_108 : f32 to vector<16xf32>
    %div3A_110 = arith.divf %div3A_109, %add3A_107 : vector<16xf32>
    %eq3A_111 = vector.broadcast %reduce_min3A_79 : i32 to vector<16xi32>
    %eq3A_112 = arith.cmpi eq, %iota3A, %eq3A_111 : vector<16xi32>
    %eq3A_113 = vector.broadcast %reduce_min3A_101 : i32 to vector<16xi32>
    %eq3A_114 = arith.cmpi eq, %iota3A, %eq3A_113 : vector<16xi32>
    %sub3A_115 = arith.constant 1.000000e+00 : f32
    %sub3A_116 = vector.broadcast %sub3A_115 : f32 to vector<16xf32>
    %sub3A_117 = arith.subf %sub3A_116, %div3A_110 : vector<16xf32>
    %jit3A_118 = arith.constant 0.000000e+00 : f32
    %broadcast_in_dim3A_119 = vector.broadcast %jit3A_118 : f32 to vector<16xf32>
    %select_n3A_120 = arith.select %eq3A_114, %sub3A_117, %broadcast_in_dim3A_119 : vector<16xi1>, vector<16xf32>
    %select_n3A_121 = arith.select %eq3A_112, %div3A_110, %select_n3A_120 : vector<16xi1>, vector<16xf32>
    %swap3A_122 = arith.constant 1 : i32
    %swap3A_123 = arith.index_cast %swap3A_122 : i32 to index
    %swap3A_124 = arith.constant 0 : index
    %swap3A_125 = tpu.vector_load %arg5[%swap3A_123, %swap3A_124] {strides = array<i32>} : memref<16x16xf32, #tpu.memory_space<vmem>>, vector<16xf32>,
    tpu.vector_store %arg5[%swap3A_123, %swap3A_124], %select_n3A_121 {strides = array<i32>} : memref<16x16xf32, #tpu.memory_space<vmem>>, vector<16xf32>,
    %get3A_126 = arith.constant 2 : i32
    %get3A_127 = arith.index_cast %get3A_126 : i32 to index
    %get3A_128 = arith.constant 0 : index
    %get3A_129 = tpu.vector_load %arg4[%get3A_127, %get3A_128] {strides = array<i32>} : memref<16x16xf32, #tpu.memory_space<vmem>>, vector<16xf32>,
    %reduce_max3A_130 = arith.constant true
    %reduce_max3A_131 = vector.broadcast %reduce_max3A_130 : i1 to vector<16xi1>
    %reduce_max3A_132 = tpu.scan <max>, %get3A_129 masked %reduce_max3A_131 : vector<16xf32>, vector<16xi1> -> vector<16xf32>
    %reduce_max3A_133 = vector.extract %reduce_max3A_132[15] : f32 from vector<16xf32>
    %eq3A_134 = vector.broadcast %reduce_max3A_133 : f32 to vector<16xf32>
    %eq3A_135 = arith.cmpf oeq, %get3A_129, %eq3A_134 : vector<16xf32>
    %jit3A_136 = arith.constant 16 : i32
    %broadcast_in_dim3A_137 = vector.broadcast %jit3A_136 : i32 to vector<16xi32>
    %select_n3A_138 = arith.select %eq3A_135, %iota3A, %broadcast_in_dim3A_137 : vector<16xi1>, vector<16xi32>
    %reduce_min3A_139 = arith.constant true
    %reduce_min3A_140 = vector.broadcast %reduce_min3A_139 : i1 to vector<16xi1>
    %reduce_min3A_141 = arith.constant -2147483648 : i32
    %reduce_min3A_142 = vector.broadcast %reduce_min3A_141 : i32 to vector<16xi32>
    %reduce_min3A_143 = arith.xori %select_n3A_138, %reduce_min3A_142 : vector<16xi32>
    %reduce_min3A_144 = tpu.scan <min>, %reduce_min3A_143 masked %reduce_min3A_140 : vector<16xi32>, vector<16xi1> -> vector<16xi32>
    %reduce_min3A_145 = arith.xori %reduce_min3A_144, %reduce_min3A_142 : vector<16xi32>
    %reduce_min3A_146 = vector.extract %reduce_min3A_145[15] : i32 from vector<16xi32>
    %eq3A_147 = vector.broadcast %reduce_min3A_146 : i32 to vector<16xi32>
    %eq3A_148 = arith.cmpi eq, %iota3A, %eq3A_147 : vector<16xi32>
    %jit3A_149 = arith.constant 0xFF800000 : f32
    %broadcast_in_dim3A_150 = vector.broadcast %jit3A_149 : f32 to vector<16xf32>
    %select_n3A_151 = arith.select %eq3A_148, %broadcast_in_dim3A_150, %get3A_129 : vector<16xi1>, vector<16xf32>
    %reduce_max3A_152 = arith.constant true
    %reduce_max3A_153 = vector.broadcast %reduce_max3A_152 : i1 to vector<16xi1>
    %reduce_max3A_154 = tpu.scan <max>, %select_n3A_151 masked %reduce_max3A_153 : vector<16xf32>, vector<16xi1> -> vector<16xf32>
    %reduce_max3A_155 = vector.extract %reduce_max3A_154[15] : f32 from vector<16xf32>
    %eq3A_156 = vector.broadcast %reduce_max3A_155 : f32 to vector<16xf32>
    %eq3A_157 = arith.cmpf oeq, %select_n3A_151, %eq3A_156 : vector<16xf32>
    %jit3A_158 = arith.constant 16 : i32
    %broadcast_in_dim3A_159 = vector.broadcast %jit3A_158 : i32 to vector<16xi32>
    %select_n3A_160 = arith.select %eq3A_157, %iota3A, %broadcast_in_dim3A_159 : vector<16xi1>, vector<16xi32>
    %reduce_min3A_161 = arith.constant true
    %reduce_min3A_162 = vector.broadcast %reduce_min3A_161 : i1 to vector<16xi1>
    %reduce_min3A_163 = arith.constant -2147483648 : i32
    %reduce_min3A_164 = vector.broadcast %reduce_min3A_163 : i32 to vector<16xi32>
    %reduce_min3A_165 = arith.xori %select_n3A_160, %reduce_min3A_164 : vector<16xi32>
    %reduce_min3A_166 = tpu.scan <min>, %reduce_min3A_165 masked %reduce_min3A_162 : vector<16xi32>, vector<16xi1> -> vector<16xi32>
    %reduce_min3A_167 = arith.xori %reduce_min3A_166, %reduce_min3A_164 : vector<16xi32>
    %reduce_min3A_168 = vector.extract %reduce_min3A_167[15] : i32 from vector<16xi32>
    %sub3A_169 = arith.subf %reduce_max3A_155, %reduce_max3A_133 : f32
    %broadcast_in_dim3A_170 = vector.broadcast %sub3A_169 : f32 to vector<16xf32>
    %exp3A_171 = math.exp %broadcast_in_dim3A_170 : vector<16xf32>
    %add3A_172 = arith.constant 1.000000e+00 : f32
    %add3A_173 = vector.broadcast %add3A_172 : f32 to vector<16xf32>
    %add3A_174 = arith.addf %add3A_173, %exp3A_171 : vector<16xf32>
    %div3A_175 = arith.constant 1.000000e+00 : f32
    %div3A_176 = vector.broadcast %div3A_175 : f32 to vector<16xf32>
    %div3A_177 = arith.divf %div3A_176, %add3A_174 : vector<16xf32>
    %eq3A_178 = vector.broadcast %reduce_min3A_146 : i32 to vector<16xi32>
    %eq3A_179 = arith.cmpi eq, %iota3A, %eq3A_178 : vector<16xi32>
    %eq3A_180 = vector.broadcast %reduce_min3A_168 : i32 to vector<16xi32>
    %eq3A_181 = arith.cmpi eq, %iota3A, %eq3A_180 : vector<16xi32>
    %sub3A_182 = arith.constant 1.000000e+00 : f32
    %sub3A_183 = vector.broadcast %sub3A_182 : f32 to vector<16xf32>
    %sub3A_184 = arith.subf %sub3A_183, %div3A_177 : vector<16xf32>
    %jit3A_185 = arith.constant 0.000000e+00 : f32
    %broadcast_in_dim3A_186 = vector.broadcast %jit3A_185 : f32 to vector<16xf32>
    %select_n3A_187 = arith.select %eq3A_181, %sub3A_184, %broadcast_in_dim3A_186 : vector<16xi1>, vector<16xf32>
    %select_n3A_188 = arith.select %eq3A_179, %div3A_177, %select_n3A_187 : vector<16xi1>, vector<16xf32>
    %swap3A_189 = arith.constant 2 : i32
    %swap3A_190 = arith.index_cast %swap3A_189 : i32 to index
    %swap3A_191 = arith.constant 0 : index
    %swap3A_192 = tpu.vector_load %arg5[%swap3A_190, %swap3A_191] {strides = array<i32>} : memref<16x16xf32, #tpu.memory_space<vmem>>, vector<16xf32>,
    tpu.vector_store %arg5[%swap3A_190, %swap3A_191], %select_n3A_188 {strides = array<i32>} : memref<16x16xf32, #tpu.memory_space<vmem>>, vector<16xf32>,
    %get3A_193 = arith.constant 3 : i32
    %get3A_194 = arith.index_cast %get3A_193 : i32 to index
    %get3A_195 = arith.constant 0 : index
    %get3A_196 = tpu.vector_load %arg4[%get3A_194, %get3A_195] {strides = array<i32>} : memref<16x16xf32, #tpu.memory_space<vmem>>, vector<16xf32>,
    %reduce_max3A_197 = arith.constant true
    %reduce_max3A_198 = vector.broadcast %reduce_max3A_197 : i1 to vector<16xi1>
    %reduce_max3A_199 = tpu.scan <max>, %get3A_196 masked %reduce_max3A_198 : vector<16xf32>, vector<16xi1> -> vector<16xf32>
    %reduce_max3A_200 = vector.extract %reduce_max3A_199[15] : f32 from vector<16xf32>
    %eq3A_201 = vector.broadcast %reduce_max3A_200 : f32 to vector<16xf32>
    %eq3A_202 = arith.cmpf oeq, %get3A_196, %eq3A_201 : vector<16xf32>
    %jit3A_203 = arith.constant 16 : i32
    %broadcast_in_dim3A_204 = vector.broadcast %jit3A_203 : i32 to vector<16xi32>
    %select_n3A_205 = arith.select %eq3A_202, %iota3A, %broadcast_in_dim3A_204 : vector<16xi1>, vector<16xi32>
    %reduce_min3A_206 = arith.constant true
    %reduce_min3A_207 = vector.broadcast %reduce_min3A_206 : i1 to vector<16xi1>
    %reduce_min3A_208 = arith.constant -2147483648 : i32
    %reduce_min3A_209 = vector.broadcast %reduce_min3A_208 : i32 to vector<16xi32>
    %reduce_min3A_210 = arith.xori %select_n3A_205, %reduce_min3A_209 : vector<16xi32>
    %reduce_min3A_211 = tpu.scan <min>, %reduce_min3A_210 masked %reduce_min3A_207 : vector<16xi32>, vector<16xi1> -> vector<16xi32>
    %reduce_min3A_212 = arith.xori %reduce_min3A_211, %reduce_min3A_209 : vector<16xi32>
    %reduce_min3A_213 = vector.extract %reduce_min3A_212[15] : i32 from vector<16xi32>
    %eq3A_214 = vector.broadcast %reduce_min3A_213 : i32 to vector<16xi32>
    %eq3A_215 = arith.cmpi eq, %iota3A, %eq3A_214 : vector<16xi32>
    %jit3A_216 = arith.constant 0xFF800000 : f32
    %broadcast_in_dim3A_217 = vector.broadcast %jit3A_216 : f32 to vector<16xf32>
    %select_n3A_218 = arith.select %eq3A_215, %broadcast_in_dim3A_217, %get3A_196 : vector<16xi1>, vector<16xf32>
    %reduce_max3A_219 = arith.constant true
    %reduce_max3A_220 = vector.broadcast %reduce_max3A_219 : i1 to vector<16xi1>
    %reduce_max3A_221 = tpu.scan <max>, %select_n3A_218 masked %reduce_max3A_220 : vector<16xf32>, vector<16xi1> -> vector<16xf32>
    %reduce_max3A_222 = vector.extract %reduce_max3A_221[15] : f32 from vector<16xf32>
    %eq3A_223 = vector.broadcast %reduce_max3A_222 : f32 to vector<16xf32>
    %eq3A_224 = arith.cmpf oeq, %select_n3A_218, %eq3A_223 : vector<16xf32>
    %jit3A_225 = arith.constant 16 : i32
    %broadcast_in_dim3A_226 = vector.broadcast %jit3A_225 : i32 to vector<16xi32>
    %select_n3A_227 = arith.select %eq3A_224, %iota3A, %broadcast_in_dim3A_226 : vector<16xi1>, vector<16xi32>
    %reduce_min3A_228 = arith.constant true
    %reduce_min3A_229 = vector.broadcast %reduce_min3A_228 : i1 to vector<16xi1>
    %reduce_min3A_230 = arith.constant -2147483648 : i32
    %reduce_min3A_231 = vector.broadcast %reduce_min3A_230 : i32 to vector<16xi32>
    %reduce_min3A_232 = arith.xori %select_n3A_227, %reduce_min3A_231 : vector<16xi32>
    %reduce_min3A_233 = tpu.scan <min>, %reduce_min3A_232 masked %reduce_min3A_229 : vector<16xi32>, vector<16xi1> -> vector<16xi32>
    %reduce_min3A_234 = arith.xori %reduce_min3A_233, %reduce_min3A_231 : vector<16xi32>
    %reduce_min3A_235 = vector.extract %reduce_min3A_234[15] : i32 from vector<16xi32>
    %sub3A_236 = arith.subf %reduce_max3A_222, %reduce_max3A_200 : f32
    %broadcast_in_dim3A_237 = vector.broadcast %sub3A_236 : f32 to vector<16xf32>
    %exp3A_238 = math.exp %broadcast_in_dim3A_237 : vector<16xf32>
    %add3A_239 = arith.constant 1.000000e+00 : f32
    %add3A_240 = vector.broadcast %add3A_239 : f32 to vector<16xf32>
    %add3A_241 = arith.addf %add3A_240, %exp3A_238 : vector<16xf32>
    %div3A_242 = arith.constant 1.000000e+00 : f32
    %div3A_243 = vector.broadcast %div3A_242 : f32 to vector<16xf32>
    %div3A_244 = arith.divf %div3A_243, %add3A_241 : vector<16xf32>
    %eq3A_245 = vector.broadcast %reduce_min3A_213 : i32 to vector<16xi32>
    %eq3A_246 = arith.cmpi eq, %iota3A, %eq3A_245 : vector<16xi32>
    %eq3A_247 = vector.broadcast %reduce_min3A_235 : i32 to vector<16xi32>
    %eq3A_248 = arith.cmpi eq, %iota3A, %eq3A_247 : vector<16xi32>
    %sub3A_249 = arith.constant 1.000000e+00 : f32
    %sub3A_250 = vector.broadcast %sub3A_249 : f32 to vector<16xf32>
    %sub3A_251 = arith.subf %sub3A_250, %div3A_244 : vector<16xf32>
    %jit3A_252 = arith.constant 0.000000e+00 : f32
    %broadcast_in_dim3A_253 = vector.broadcast %jit3A_252 : f32 to vector<16xf32>
    %select_n3A_254 = arith.select %eq3A_248, %sub3A_251, %broadcast_in_dim3A_253 : vector<16xi1>, vector<16xf32>
    %select_n3A_255 = arith.select %eq3A_246, %div3A_244, %select_n3A_254 : vector<16xi1>, vector<16xf32>
    %swap3A_256 = arith.constant 3 : i32
    %swap3A_257 = arith.index_cast %swap3A_256 : i32 to index
    %swap3A_258 = arith.constant 0 : index
    %swap3A_259 = tpu.vector_load %arg5[%swap3A_257, %swap3A_258] {strides = array<i32>} : memref<16x16xf32, #tpu.memory_space<vmem>>, vector<16xf32>,
    tpu.vector_store %arg5[%swap3A_257, %swap3A_258], %select_n3A_255 {strides = array<i32>} : memref<16x16xf32, #tpu.memory_space<vmem>>, vector<16xf32>,
    %get3A_260 = arith.constant 4 : i32
    %get3A_261 = arith.index_cast %get3A_260 : i32 to index
    %get3A_262 = arith.constant 0 : index
    %get3A_263 = tpu.vector_load %arg4[%get3A_261, %get3A_262] {strides = array<i32>} : memref<16x16xf32, #tpu.memory_space<vmem>>, vector<16xf32>,
    %reduce_max3A_264 = arith.constant true
    %reduce_max3A_265 = vector.broadcast %reduce_max3A_264 : i1 to vector<16xi1>
    %reduce_max3A_266 = tpu.scan <max>, %get3A_263 masked %reduce_max3A_265 : vector<16xf32>, vector<16xi1> -> vector<16xf32>
    %reduce_max3A_267 = vector.extract %reduce_max3A_266[15] : f32 from vector<16xf32>
    %eq3A_268 = vector.broadcast %reduce_max3A_267 : f32 to vector<16xf32>
    %eq3A_269 = arith.cmpf oeq, %get3A_263, %eq3A_268 : vector<16xf32>
    %jit3A_270 = arith.constant 16 : i32
    %broadcast_in_dim3A_271 = vector.broadcast %jit3A_270 : i32 to vector<16xi32>
    %select_n3A_272 = arith.select %eq3A_269, %iota3A, %broadcast_in_dim3A_271 : vector<16xi1>, vector<16xi32>
    %reduce_min3A_273 = arith.constant true
    %reduce_min3A_274 = vector.broadcast %reduce_min3A_273 : i1 to vector<16xi1>
    %reduce_min3A_275 = arith.constant -2147483648 : i32
    %reduce_min3A_276 = vector.broadcast %reduce_min3A_275 : i32 to vector<16xi32>
    %reduce_min3A_277 = arith.xori %select_n3A_272, %reduce_min3A_276 : vector<16xi32>
    %reduce_min3A_278 = tpu.scan <min>, %reduce_min3A_277 masked %reduce_min3A_274 : vector<16xi32>, vector<16xi1> -> vector<16xi32>
    %reduce_min3A_279 = arith.xori %reduce_min3A_278, %reduce_min3A_276 : vector<16xi32>
    %reduce_min3A_280 = vector.extract %reduce_min3A_279[15] : i32 from vector<16xi32>
    %eq3A_281 = vector.broadcast %reduce_min3A_280 : i32 to vector<16xi32>
    %eq3A_282 = arith.cmpi eq, %iota3A, %eq3A_281 : vector<16xi32>
    %jit3A_283 = arith.constant 0xFF800000 : f32
    %broadcast_in_dim3A_284 = vector.broadcast %jit3A_283 : f32 to vector<16xf32>
    %select_n3A_285 = arith.select %eq3A_282, %broadcast_in_dim3A_284, %get3A_263 : vector<16xi1>, vector<16xf32>
    %reduce_max3A_286 = arith.constant true
    %reduce_max3A_287 = vector.broadcast %reduce_max3A_286 : i1 to vector<16xi1>
    %reduce_max3A_288 = tpu.scan <max>, %select_n3A_285 masked %reduce_max3A_287 : vector<16xf32>, vector<16xi1> -> vector<16xf32>
    %reduce_max3A_289 = vector.extract %reduce_max3A_288[15] : f32 from vector<16xf32>
    %eq3A_290 = vector.broadcast %reduce_max3A_289 : f32 to vector<16xf32>
    %eq3A_291 = arith.cmpf oeq, %select_n3A_285, %eq3A_290 : vector<16xf32>
    %jit3A_292 = arith.constant 16 : i32
    %broadcast_in_dim3A_293 = vector.broadcast %jit3A_292 : i32 to vector<16xi32>
    %select_n3A_294 = arith.select %eq3A_291, %iota3A, %broadcast_in_dim3A_293 : vector<16xi1>, vector<16xi32>
    %reduce_min3A_295 = arith.constant true
    %reduce_min3A_296 = vector.broadcast %reduce_min3A_295 : i1 to vector<16xi1>
    %reduce_min3A_297 = arith.constant -2147483648 : i32
    %reduce_min3A_298 = vector.broadcast %reduce_min3A_297 : i32 to vector<16xi32>
    %reduce_min3A_299 = arith.xori %select_n3A_294, %reduce_min3A_298 : vector<16xi32>
    %reduce_min3A_300 = tpu.scan <min>, %reduce_min3A_299 masked %reduce_min3A_296 : vector<16xi32>, vector<16xi1> -> vector<16xi32>
    %reduce_min3A_301 = arith.xori %reduce_min3A_300, %reduce_min3A_298 : vector<16xi32>
    %reduce_min3A_302 = vector.extract %reduce_min3A_301[15] : i32 from vector<16xi32>
    %sub3A_303 = arith.subf %reduce_max3A_289, %reduce_max3A_267 : f32
    %broadcast_in_dim3A_304 = vector.broadcast %sub3A_303 : f32 to vector<16xf32>
    %exp3A_305 = math.exp %broadcast_in_dim3A_304 : vector<16xf32>
    %add3A_306 = arith.constant 1.000000e+00 : f32
    %add3A_307 = vector.broadcast %add3A_306 : f32 to vector<16xf32>
    %add3A_308 = arith.addf %add3A_307, %exp3A_305 : vector<16xf32>
    %div3A_309 = arith.constant 1.000000e+00 : f32
    %div3A_310 = vector.broadcast %div3A_309 : f32 to vector<16xf32>
    %div3A_311 = arith.divf %div3A_310, %add3A_308 : vector<16xf32>
    %eq3A_312 = vector.broadcast %reduce_min3A_280 : i32 to vector<16xi32>
    %eq3A_313 = arith.cmpi eq, %iota3A, %eq3A_312 : vector<16xi32>
    %eq3A_314 = vector.broadcast %reduce_min3A_302 : i32 to vector<16xi32>
    %eq3A_315 = arith.cmpi eq, %iota3A, %eq3A_314 : vector<16xi32>
    %sub3A_316 = arith.constant 1.000000e+00 : f32
    %sub3A_317 = vector.broadcast %sub3A_316 : f32 to vector<16xf32>
    %sub3A_318 = arith.subf %sub3A_317, %div3A_311 : vector<16xf32>
    %jit3A_319 = arith.constant 0.000000e+00 : f32
    %broadcast_in_dim3A_320 = vector.broadcast %jit3A_319 : f32 to vector<16xf32>
    %select_n3A_321 = arith.select %eq3A_315, %sub3A_318, %broadcast_in_dim3A_320 : vector<16xi1>, vector<16xf32>
    %select_n3A_322 = arith.select %eq3A_313, %div3A_311, %select_n3A_321 : vector<16xi1>, vector<16xf32>
    %swap3A_323 = arith.constant 4 : i32
    %swap3A_324 = arith.index_cast %swap3A_323 : i32 to index
    %swap3A_325 = arith.constant 0 : index
    %swap3A_326 = tpu.vector_load %arg5[%swap3A_324, %swap3A_325] {strides = array<i32>} : memref<16x16xf32, #tpu.memory_space<vmem>>, vector<16xf32>,
    tpu.vector_store %arg5[%swap3A_324, %swap3A_325], %select_n3A_322 {strides = array<i32>} : memref<16x16xf32, #tpu.memory_space<vmem>>, vector<16xf32>,
    %get3A_327 = arith.constant 5 : i32
    %get3A_328 = arith.index_cast %get3A_327 : i32 to index
    %get3A_329 = arith.constant 0 : index
    %get3A_330 = tpu.vector_load %arg4[%get3A_328, %get3A_329] {strides = array<i32>} : memref<16x16xf32, #tpu.memory_space<vmem>>, vector<16xf32>,
    %reduce_max3A_331 = arith.constant true
    %reduce_max3A_332 = vector.broadcast %reduce_max3A_331 : i1 to vector<16xi1>
    %reduce_max3A_333 = tpu.scan <max>, %get3A_330 masked %reduce_max3A_332 : vector<16xf32>, vector<16xi1> -> vector<16xf32>
    %reduce_max3A_334 = vector.extract %reduce_max3A_333[15] : f32 from vector<16xf32>
    %eq3A_335 = vector.broadcast %reduce_max3A_334 : f32 to vector<16xf32>
    %eq3A_336 = arith.cmpf oeq, %get3A_330, %eq3A_335 : vector<16xf32>
    %jit3A_337 = arith.constant 16 : i32
    %broadcast_in_dim3A_338 = vector.broadcast %jit3A_337 : i32 to vector<16xi32>
    %select_n3A_339 = arith.select %eq3A_336, %iota3A, %broadcast_in_dim3A_338 : vector<16xi1>, vector<16xi32>
    %reduce_min3A_340 = arith.constant true
    %reduce_min3A_341 = vector.broadcast %reduce_min3A_340 : i1 to vector<16xi1>
    %reduce_min3A_342 = arith.constant -2147483648 : i32
    %reduce_min3A_343 = vector.broadcast %reduce_min3A_342 : i32 to vector<16xi32>
    %reduce_min3A_344 = arith.xori %select_n3A_339, %reduce_min3A_343 : vector<16xi32>
    %reduce_min3A_345 = tpu.scan <min>, %reduce_min3A_344 masked %reduce_min3A_341 : vector<16xi32>, vector<16xi1> -> vector<16xi32>
    %reduce_min3A_346 = arith.xori %reduce_min3A_345, %reduce_min3A_343 : vector<16xi32>
    %reduce_min3A_347 = vector.extract %reduce_min3A_346[15] : i32 from vector<16xi32>
    %eq3A_348 = vector.broadcast %reduce_min3A_347 : i32 to vector<16xi32>
    %eq3A_349 = arith.cmpi eq, %iota3A, %eq3A_348 : vector<16xi32>
    %jit3A_350 = arith.constant 0xFF800000 : f32
    %broadcast_in_dim3A_351 = vector.broadcast %jit3A_350 : f32 to vector<16xf32>
    %select_n3A_352 = arith.select %eq3A_349, %broadcast_in_dim3A_351, %get3A_330 : vector<16xi1>, vector<16xf32>
    %reduce_max3A_353 = arith.constant true
    %reduce_max3A_354 = vector.broadcast %reduce_max3A_353 : i1 to vector<16xi1>
    %reduce_max3A_355 = tpu.scan <max>, %select_n3A_352 masked %reduce_max3A_354 : vector<16xf32>, vector<16xi1> -> vector<16xf32>
    %reduce_max3A_356 = vector.extract %reduce_max3A_355[15] : f32 from vector<16xf32>
    %eq3A_357 = vector.broadcast %reduce_max3A_356 : f32 to vector<16xf32>
    %eq3A_358 = arith.cmpf oeq, %select_n3A_352, %eq3A_357 : vector<16xf32>
    %jit3A_359 = arith.constant 16 : i32
    %broadcast_in_dim3A_360 = vector.broadcast %jit3A_359 : i32 to vector<16xi32>
    %select_n3A_361 = arith.select %eq3A_358, %iota3A, %broadcast_in_dim3A_360 : vector<16xi1>, vector<16xi32>
    %reduce_min3A_362 = arith.constant true
    %reduce_min3A_363 = vector.broadcast %reduce_min3A_362 : i1 to vector<16xi1>
    %reduce_min3A_364 = arith.constant -2147483648 : i32
    %reduce_min3A_365 = vector.broadcast %reduce_min3A_364 : i32 to vector<16xi32>
    %reduce_min3A_366 = arith.xori %select_n3A_361, %reduce_min3A_365 : vector<16xi32>
    %reduce_min3A_367 = tpu.scan <min>, %reduce_min3A_366 masked %reduce_min3A_363 : vector<16xi32>, vector<16xi1> -> vector<16xi32>
    %reduce_min3A_368 = arith.xori %reduce_min3A_367, %reduce_min3A_365 : vector<16xi32>
    %reduce_min3A_369 = vector.extract %reduce_min3A_368[15] : i32 from vector<16xi32>
    %sub3A_370 = arith.subf %reduce_max3A_356, %reduce_max3A_334 : f32
    %broadcast_in_dim3A_371 = vector.broadcast %sub3A_370 : f32 to vector<16xf32>
    %exp3A_372 = math.exp %broadcast_in_dim3A_371 : vector<16xf32>
    %add3A_373 = arith.constant 1.000000e+00 : f32
    %add3A_374 = vector.broadcast %add3A_373 : f32 to vector<16xf32>
    %add3A_375 = arith.addf %add3A_374, %exp3A_372 : vector<16xf32>
    %div3A_376 = arith.constant 1.000000e+00 : f32
    %div3A_377 = vector.broadcast %div3A_376 : f32 to vector<16xf32>
    %div3A_378 = arith.divf %div3A_377, %add3A_375 : vector<16xf32>
    %eq3A_379 = vector.broadcast %reduce_min3A_347 : i32 to vector<16xi32>
    %eq3A_380 = arith.cmpi eq, %iota3A, %eq3A_379 : vector<16xi32>
    %eq3A_381 = vector.broadcast %reduce_min3A_369 : i32 to vector<16xi32>
    %eq3A_382 = arith.cmpi eq, %iota3A, %eq3A_381 : vector<16xi32>
    %sub3A_383 = arith.constant 1.000000e+00 : f32
    %sub3A_384 = vector.broadcast %sub3A_383 : f32 to vector<16xf32>
    %sub3A_385 = arith.subf %sub3A_384, %div3A_378 : vector<16xf32>
    %jit3A_386 = arith.constant 0.000000e+00 : f32
    %broadcast_in_dim3A_387 = vector.broadcast %jit3A_386 : f32 to vector<16xf32>
    %select_n3A_388 = arith.select %eq3A_382, %sub3A_385, %broadcast_in_dim3A_387 : vector<16xi1>, vector<16xf32>
    %select_n3A_389 = arith.select %eq3A_380, %div3A_378, %select_n3A_388 : vector<16xi1>, vector<16xf32>
    %swap3A_390 = arith.constant 5 : i32
    %swap3A_391 = arith.index_cast %swap3A_390 : i32 to index
    %swap3A_392 = arith.constant 0 : index
    %swap3A_393 = tpu.vector_load %arg5[%swap3A_391, %swap3A_392] {strides = array<i32>} : memref<16x16xf32, #tpu.memory_space<vmem>>, vector<16xf32>,
    tpu.vector_store %arg5[%swap3A_391, %swap3A_392], %select_n3A_389 {strides = array<i32>} : memref<16x16xf32, #tpu.memory_space<vmem>>, vector<16xf32>,
    %get3A_394 = arith.constant 6 : i32
    %get3A_395 = arith.index_cast %get3A_394 : i32 to index
    %get3A_396 = arith.constant 0 : index
    %get3A_397 = tpu.vector_load %arg4[%get3A_395, %get3A_396] {strides = array<i32>} : memref<16x16xf32, #tpu.memory_space<vmem>>, vector<16xf32>,
    %reduce_max3A_398 = arith.constant true
    %reduce_max3A_399 = vector.broadcast %reduce_max3A_398 : i1 to vector<16xi1>
    %reduce_max3A_400 = tpu.scan <max>, %get3A_397 masked %reduce_max3A_399 : vector<16xf32>, vector<16xi1> -> vector<16xf32>
    %reduce_max3A_401 = vector.extract %reduce_max3A_400[15] : f32 from vector<16xf32>
    %eq3A_402 = vector.broadcast %reduce_max3A_401 : f32 to vector<16xf32>
    %eq3A_403 = arith.cmpf oeq, %get3A_397, %eq3A_402 : vector<16xf32>
    %jit3A_404 = arith.constant 16 : i32
    %broadcast_in_dim3A_405 = vector.broadcast %jit3A_404 : i32 to vector<16xi32>
    %select_n3A_406 = arith.select %eq3A_403, %iota3A, %broadcast_in_dim3A_405 : vector<16xi1>, vector<16xi32>
    %reduce_min3A_407 = arith.constant true
    %reduce_min3A_408 = vector.broadcast %reduce_min3A_407 : i1 to vector<16xi1>
    %reduce_min3A_409 = arith.constant -2147483648 : i32
    %reduce_min3A_410 = vector.broadcast %reduce_min3A_409 : i32 to vector<16xi32>
    %reduce_min3A_411 = arith.xori %select_n3A_406, %reduce_min3A_410 : vector<16xi32>
    %reduce_min3A_412 = tpu.scan <min>, %reduce_min3A_411 masked %reduce_min3A_408 : vector<16xi32>, vector<16xi1> -> vector<16xi32>
    %reduce_min3A_413 = arith.xori %reduce_min3A_412, %reduce_min3A_410 : vector<16xi32>
    %reduce_min3A_414 = vector.extract %reduce_min3A_413[15] : i32 from vector<16xi32>
    %eq3A_415 = vector.broadcast %reduce_min3A_414 : i32 to vector<16xi32>
    %eq3A_416 = arith.cmpi eq, %iota3A, %eq3A_415 : vector<16xi32>
    %jit3A_417 = arith.constant 0xFF800000 : f32
    %broadcast_in_dim3A_418 = vector.broadcast %jit3A_417 : f32 to vector<16xf32>
    %select_n3A_419 = arith.select %eq3A_416, %broadcast_in_dim3A_418, %get3A_397 : vector<16xi1>, vector<16xf32>
    %reduce_max3A_420 = arith.constant true
    %reduce_max3A_421 = vector.broadcast %reduce_max3A_420 : i1 to vector<16xi1>
    %reduce_max3A_422 = tpu.scan <max>, %select_n3A_419 masked %reduce_max3A_421 : vector<16xf32>, vector<16xi1> -> vector<16xf32>
    %reduce_max3A_423 = vector.extract %reduce_max3A_422[15] : f32 from vector<16xf32>
    %eq3A_424 = vector.broadcast %reduce_max3A_423 : f32 to vector<16xf32>
    %eq3A_425 = arith.cmpf oeq, %select_n3A_419, %eq3A_424 : vector<16xf32>
    %jit3A_426 = arith.constant 16 : i32
    %broadcast_in_dim3A_427 = vector.broadcast %jit3A_426 : i32 to vector<16xi32>
    %select_n3A_428 = arith.select %eq3A_425, %iota3A, %broadcast_in_dim3A_427 : vector<16xi1>, vector<16xi32>
    %reduce_min3A_429 = arith.constant true
    %reduce_min3A_430 = vector.broadcast %reduce_min3A_429 : i1 to vector<16xi1>
    %reduce_min3A_431 = arith.constant -2147483648 : i32
    %reduce_min3A_432 = vector.broadcast %reduce_min3A_431 : i32 to vector<16xi32>
    %reduce_min3A_433 = arith.xori %select_n3A_428, %reduce_min3A_432 : vector<16xi32>
    %reduce_min3A_434 = tpu.scan <min>, %reduce_min3A_433 masked %reduce_min3A_430 : vector<16xi32>, vector<16xi1> -> vector<16xi32>
    %reduce_min3A_435 = arith.xori %reduce_min3A_434, %reduce_min3A_432 : vector<16xi32>
    %reduce_min3A_436 = vector.extract %reduce_min3A_435[15] : i32 from vector<16xi32>
    %sub3A_437 = arith.subf %reduce_max3A_423, %reduce_max3A_401 : f32
    %broadcast_in_dim3A_438 = vector.broadcast %sub3A_437 : f32 to vector<16xf32>
    %exp3A_439 = math.exp %broadcast_in_dim3A_438 : vector<16xf32>
    %add3A_440 = arith.constant 1.000000e+00 : f32
    %add3A_441 = vector.broadcast %add3A_440 : f32 to vector<16xf32>
    %add3A_442 = arith.addf %add3A_441, %exp3A_439 : vector<16xf32>
    %div3A_443 = arith.constant 1.000000e+00 : f32
    %div3A_444 = vector.broadcast %div3A_443 : f32 to vector<16xf32>
    %div3A_445 = arith.divf %div3A_444, %add3A_442 : vector<16xf32>
    %eq3A_446 = vector.broadcast %reduce_min3A_414 : i32 to vector<16xi32>
    %eq3A_447 = arith.cmpi eq, %iota3A, %eq3A_446 : vector<16xi32>
    %eq3A_448 = vector.broadcast %reduce_min3A_436 : i32 to vector<16xi32>
    %eq3A_449 = arith.cmpi eq, %iota3A, %eq3A_448 : vector<16xi32>
    %sub3A_450 = arith.constant 1.000000e+00 : f32
    %sub3A_451 = vector.broadcast %sub3A_450 : f32 to vector<16xf32>
    %sub3A_452 = arith.subf %sub3A_451, %div3A_445 : vector<16xf32>
    %jit3A_453 = arith.constant 0.000000e+00 : f32
    %broadcast_in_dim3A_454 = vector.broadcast %jit3A_453 : f32 to vector<16xf32>
    %select_n3A_455 = arith.select %eq3A_449, %sub3A_452, %broadcast_in_dim3A_454 : vector<16xi1>, vector<16xf32>
    %select_n3A_456 = arith.select %eq3A_447, %div3A_445, %select_n3A_455 : vector<16xi1>, vector<16xf32>
    %swap3A_457 = arith.constant 6 : i32
    %swap3A_458 = arith.index_cast %swap3A_457 : i32 to index
    %swap3A_459 = arith.constant 0 : index
    %swap3A_460 = tpu.vector_load %arg5[%swap3A_458, %swap3A_459] {strides = array<i32>} : memref<16x16xf32, #tpu.memory_space<vmem>>, vector<16xf32>,
    tpu.vector_store %arg5[%swap3A_458, %swap3A_459], %select_n3A_456 {strides = array<i32>} : memref<16x16xf32, #tpu.memory_space<vmem>>, vector<16xf32>,
    %get3A_461 = arith.constant 7 : i32
    %get3A_462 = arith.index_cast %get3A_461 : i32 to index
    %get3A_463 = arith.constant 0 : index
    %get3A_464 = tpu.vector_load %arg4[%get3A_462, %get3A_463] {strides = array<i32>} : memref<16x16xf32, #tpu.memory_space<vmem>>, vector<16xf32>,
    %reduce_max3A_465 = arith.constant true
    %reduce_max3A_466 = vector.broadcast %reduce_max3A_465 : i1 to vector<16xi1>
    %reduce_max3A_467 = tpu.scan <max>, %get3A_464 masked %reduce_max3A_466 : vector<16xf32>, vector<16xi1> -> vector<16xf32>
    %reduce_max3A_468 = vector.extract %reduce_max3A_467[15] : f32 from vector<16xf32>
    %eq3A_469 = vector.broadcast %reduce_max3A_468 : f32 to vector<16xf32>
    %eq3A_470 = arith.cmpf oeq, %get3A_464, %eq3A_469 : vector<16xf32>
    %jit3A_471 = arith.constant 16 : i32
    %broadcast_in_dim3A_472 = vector.broadcast %jit3A_471 : i32 to vector<16xi32>
    %select_n3A_473 = arith.select %eq3A_470, %iota3A, %broadcast_in_dim3A_472 : vector<16xi1>, vector<16xi32>
    %reduce_min3A_474 = arith.constant true
    %reduce_min3A_475 = vector.broadcast %reduce_min3A_474 : i1 to vector<16xi1>
    %reduce_min3A_476 = arith.constant -2147483648 : i32
    %reduce_min3A_477 = vector.broadcast %reduce_min3A_476 : i32 to vector<16xi32>
    %reduce_min3A_478 = arith.xori %select_n3A_473, %reduce_min3A_477 : vector<16xi32>
    %reduce_min3A_479 = tpu.scan <min>, %reduce_min3A_478 masked %reduce_min3A_475 : vector<16xi32>, vector<16xi1> -> vector<16xi32>
    %reduce_min3A_480 = arith.xori %reduce_min3A_479, %reduce_min3A_477 : vector<16xi32>
    %reduce_min3A_481 = vector.extract %reduce_min3A_480[15] : i32 from vector<16xi32>
    %eq3A_482 = vector.broadcast %reduce_min3A_481 : i32 to vector<16xi32>
    %eq3A_483 = arith.cmpi eq, %iota3A, %eq3A_482 : vector<16xi32>
    %jit3A_484 = arith.constant 0xFF800000 : f32
    %broadcast_in_dim3A_485 = vector.broadcast %jit3A_484 : f32 to vector<16xf32>
    %select_n3A_486 = arith.select %eq3A_483, %broadcast_in_dim3A_485, %get3A_464 : vector<16xi1>, vector<16xf32>
    %reduce_max3A_487 = arith.constant true
    %reduce_max3A_488 = vector.broadcast %reduce_max3A_487 : i1 to vector<16xi1>
    %reduce_max3A_489 = tpu.scan <max>, %select_n3A_486 masked %reduce_max3A_488 : vector<16xf32>, vector<16xi1> -> vector<16xf32>
    %reduce_max3A_490 = vector.extract %reduce_max3A_489[15] : f32 from vector<16xf32>
    %eq3A_491 = vector.broadcast %reduce_max3A_490 : f32 to vector<16xf32>
    %eq3A_492 = arith.cmpf oeq, %select_n3A_486, %eq3A_491 : vector<16xf32>
    %jit3A_493 = arith.constant 16 : i32
    %broadcast_in_dim3A_494 = vector.broadcast %jit3A_493 : i32 to vector<16xi32>
    %select_n3A_495 = arith.select %eq3A_492, %iota3A, %broadcast_in_dim3A_494 : vector<16xi1>, vector<16xi32>
    %reduce_min3A_496 = arith.constant true
    %reduce_min3A_497 = vector.broadcast %reduce_min3A_496 : i1 to vector<16xi1>
    %reduce_min3A_498 = arith.constant -2147483648 : i32
    %reduce_min3A_499 = vector.broadcast %reduce_min3A_498 : i32 to vector<16xi32>
    %reduce_min3A_500 = arith.xori %select_n3A_495, %reduce_min3A_499 : vector<16xi32>
    %reduce_min3A_501 = tpu.scan <min>, %reduce_min3A_500 masked %reduce_min3A_497 : vector<16xi32>, vector<16xi1> -> vector<16xi32>
    %reduce_min3A_502 = arith.xori %reduce_min3A_501, %reduce_min3A_499 : vector<16xi32>
    %reduce_min3A_503 = vector.extract %reduce_min3A_502[15] : i32 from vector<16xi32>
    %sub3A_504 = arith.subf %reduce_max3A_490, %reduce_max3A_468 : f32
    %broadcast_in_dim3A_505 = vector.broadcast %sub3A_504 : f32 to vector<16xf32>
    %exp3A_506 = math.exp %broadcast_in_dim3A_505 : vector<16xf32>
    %add3A_507 = arith.constant 1.000000e+00 : f32
    %add3A_508 = vector.broadcast %add3A_507 : f32 to vector<16xf32>
    %add3A_509 = arith.addf %add3A_508, %exp3A_506 : vector<16xf32>
    %div3A_510 = arith.constant 1.000000e+00 : f32
    %div3A_511 = vector.broadcast %div3A_510 : f32 to vector<16xf32>
    %div3A_512 = arith.divf %div3A_511, %add3A_509 : vector<16xf32>
    %eq3A_513 = vector.broadcast %reduce_min3A_481 : i32 to vector<16xi32>
    %eq3A_514 = arith.cmpi eq, %iota3A, %eq3A_513 : vector<16xi32>
    %eq3A_515 = vector.broadcast %reduce_min3A_503 : i32 to vector<16xi32>
    %eq3A_516 = arith.cmpi eq, %iota3A, %eq3A_515 : vector<16xi32>
    %sub3A_517 = arith.constant 1.000000e+00 : f32
    %sub3A_518 = vector.broadcast %sub3A_517 : f32 to vector<16xf32>
    %sub3A_519 = arith.subf %sub3A_518, %div3A_512 : vector<16xf32>
    %jit3A_520 = arith.constant 0.000000e+00 : f32
    %broadcast_in_dim3A_521 = vector.broadcast %jit3A_520 : f32 to vector<16xf32>
    %select_n3A_522 = arith.select %eq3A_516, %sub3A_519, %broadcast_in_dim3A_521 : vector<16xi1>, vector<16xf32>
    %select_n3A_523 = arith.select %eq3A_514, %div3A_512, %select_n3A_522 : vector<16xi1>, vector<16xf32>
    %swap3A_524 = arith.constant 7 : i32
    %swap3A_525 = arith.index_cast %swap3A_524 : i32 to index
    %swap3A_526 = arith.constant 0 : index
    %swap3A_527 = tpu.vector_load %arg5[%swap3A_525, %swap3A_526] {strides = array<i32>} : memref<16x16xf32, #tpu.memory_space<vmem>>, vector<16xf32>,
    tpu.vector_store %arg5[%swap3A_525, %swap3A_526], %select_n3A_523 {strides = array<i32>} : memref<16x16xf32, #tpu.memory_space<vmem>>, vector<16xf32>,
    %get3A_528 = arith.constant 8 : i32
    %get3A_529 = arith.index_cast %get3A_528 : i32 to index
    %get3A_530 = arith.constant 0 : index
    %get3A_531 = tpu.vector_load %arg4[%get3A_529, %get3A_530] {strides = array<i32>} : memref<16x16xf32, #tpu.memory_space<vmem>>, vector<16xf32>,
    %reduce_max3A_532 = arith.constant true
    %reduce_max3A_533 = vector.broadcast %reduce_max3A_532 : i1 to vector<16xi1>
    %reduce_max3A_534 = tpu.scan <max>, %get3A_531 masked %reduce_max3A_533 : vector<16xf32>, vector<16xi1> -> vector<16xf32>
    %reduce_max3A_535 = vector.extract %reduce_max3A_534[15] : f32 from vector<16xf32>
    %eq3A_536 = vector.broadcast %reduce_max3A_535 : f32 to vector<16xf32>
    %eq3A_537 = arith.cmpf oeq, %get3A_531, %eq3A_536 : vector<16xf32>
    %jit3A_538 = arith.constant 16 : i32
    %broadcast_in_dim3A_539 = vector.broadcast %jit3A_538 : i32 to vector<16xi32>
    %select_n3A_540 = arith.select %eq3A_537, %iota3A, %broadcast_in_dim3A_539 : vector<16xi1>, vector<16xi32>
    %reduce_min3A_541 = arith.constant true
    %reduce_min3A_542 = vector.broadcast %reduce_min3A_541 : i1 to vector<16xi1>
    %reduce_min3A_543 = arith.constant -2147483648 : i32
    %reduce_min3A_544 = vector.broadcast %reduce_min3A_543 : i32 to vector<16xi32>
    %reduce_min3A_545 = arith.xori %select_n3A_540, %reduce_min3A_544 : vector<16xi32>
    %reduce_min3A_546 = tpu.scan <min>, %reduce_min3A_545 masked %reduce_min3A_542 : vector<16xi32>, vector<16xi1> -> vector<16xi32>
    %reduce_min3A_547 = arith.xori %reduce_min3A_546, %reduce_min3A_544 : vector<16xi32>
    %reduce_min3A_548 = vector.extract %reduce_min3A_547[15] : i32 from vector<16xi32>
    %eq3A_549 = vector.broadcast %reduce_min3A_548 : i32 to vector<16xi32>
    %eq3A_550 = arith.cmpi eq, %iota3A, %eq3A_549 : vector<16xi32>
    %jit3A_551 = arith.constant 0xFF800000 : f32
    %broadcast_in_dim3A_552 = vector.broadcast %jit3A_551 : f32 to vector<16xf32>
    %select_n3A_553 = arith.select %eq3A_550, %broadcast_in_dim3A_552, %get3A_531 : vector<16xi1>, vector<16xf32>
    %reduce_max3A_554 = arith.constant true
    %reduce_max3A_555 = vector.broadcast %reduce_max3A_554 : i1 to vector<16xi1>
    %reduce_max3A_556 = tpu.scan <max>, %select_n3A_553 masked %reduce_max3A_555 : vector<16xf32>, vector<16xi1> -> vector<16xf32>
    %reduce_max3A_557 = vector.extract %reduce_max3A_556[15] : f32 from vector<16xf32>
    %eq3A_558 = vector.broadcast %reduce_max3A_557 : f32 to vector<16xf32>
    %eq3A_559 = arith.cmpf oeq, %select_n3A_553, %eq3A_558 : vector<16xf32>
    %jit3A_560 = arith.constant 16 : i32
    %broadcast_in_dim3A_561 = vector.broadcast %jit3A_560 : i32 to vector<16xi32>
    %select_n3A_562 = arith.select %eq3A_559, %iota3A, %broadcast_in_dim3A_561 : vector<16xi1>, vector<16xi32>
    %reduce_min3A_563 = arith.constant true
    %reduce_min3A_564 = vector.broadcast %reduce_min3A_563 : i1 to vector<16xi1>
    %reduce_min3A_565 = arith.constant -2147483648 : i32
    %reduce_min3A_566 = vector.broadcast %reduce_min3A_565 : i32 to vector<16xi32>
    %reduce_min3A_567 = arith.xori %select_n3A_562, %reduce_min3A_566 : vector<16xi32>
    %reduce_min3A_568 = tpu.scan <min>, %reduce_min3A_567 masked %reduce_min3A_564 : vector<16xi32>, vector<16xi1> -> vector<16xi32>
    %reduce_min3A_569 = arith.xori %reduce_min3A_568, %reduce_min3A_566 : vector<16xi32>
    %reduce_min3A_570 = vector.extract %reduce_min3A_569[15] : i32 from vector<16xi32>
    %sub3A_571 = arith.subf %reduce_max3A_557, %reduce_max3A_535 : f32
    %broadcast_in_dim3A_572 = vector.broadcast %sub3A_571 : f32 to vector<16xf32>
    %exp3A_573 = math.exp %broadcast_in_dim3A_572 : vector<16xf32>
    %add3A_574 = arith.constant 1.000000e+00 : f32
    %add3A_575 = vector.broadcast %add3A_574 : f32 to vector<16xf32>
    %add3A_576 = arith.addf %add3A_575, %exp3A_573 : vector<16xf32>
    %div3A_577 = arith.constant 1.000000e+00 : f32
    %div3A_578 = vector.broadcast %div3A_577 : f32 to vector<16xf32>
    %div3A_579 = arith.divf %div3A_578, %add3A_576 : vector<16xf32>
    %eq3A_580 = vector.broadcast %reduce_min3A_548 : i32 to vector<16xi32>
    %eq3A_581 = arith.cmpi eq, %iota3A, %eq3A_580 : vector<16xi32>
    %eq3A_582 = vector.broadcast %reduce_min3A_570 : i32 to vector<16xi32>
    %eq3A_583 = arith.cmpi eq, %iota3A, %eq3A_582 : vector<16xi32>
    %sub3A_584 = arith.constant 1.000000e+00 : f32
    %sub3A_585 = vector.broadcast %sub3A_584 : f32 to vector<16xf32>
    %sub3A_586 = arith.subf %sub3A_585, %div3A_579 : vector<16xf32>
    %jit3A_587 = arith.constant 0.000000e+00 : f32
    %broadcast_in_dim3A_588 = vector.broadcast %jit3A_587 : f32 to vector<16xf32>
    %select_n3A_589 = arith.select %eq3A_583, %sub3A_586, %broadcast_in_dim3A_588 : vector<16xi1>, vector<16xf32>
    %select_n3A_590 = arith.select %eq3A_581, %div3A_579, %select_n3A_589 : vector<16xi1>, vector<16xf32>
    %swap3A_591 = arith.constant 8 : i32
    %swap3A_592 = arith.index_cast %swap3A_591 : i32 to index
    %swap3A_593 = arith.constant 0 : index
    %swap3A_594 = tpu.vector_load %arg5[%swap3A_592, %swap3A_593] {strides = array<i32>} : memref<16x16xf32, #tpu.memory_space<vmem>>, vector<16xf32>,
    tpu.vector_store %arg5[%swap3A_592, %swap3A_593], %select_n3A_590 {strides = array<i32>} : memref<16x16xf32, #tpu.memory_space<vmem>>, vector<16xf32>,
    %get3A_595 = arith.constant 9 : i32
    %get3A_596 = arith.index_cast %get3A_595 : i32 to index
    %get3A_597 = arith.constant 0 : index
    %get3A_598 = tpu.vector_load %arg4[%get3A_596, %get3A_597] {strides = array<i32>} : memref<16x16xf32, #tpu.memory_space<vmem>>, vector<16xf32>,
    %reduce_max3A_599 = arith.constant true
    %reduce_max3A_600 = vector.broadcast %reduce_max3A_599 : i1 to vector<16xi1>
    %reduce_max3A_601 = tpu.scan <max>, %get3A_598 masked %reduce_max3A_600 : vector<16xf32>, vector<16xi1> -> vector<16xf32>
    %reduce_max3A_602 = vector.extract %reduce_max3A_601[15] : f32 from vector<16xf32>
    %eq3A_603 = vector.broadcast %reduce_max3A_602 : f32 to vector<16xf32>
    %eq3A_604 = arith.cmpf oeq, %get3A_598, %eq3A_603 : vector<16xf32>
    %jit3A_605 = arith.constant 16 : i32
    %broadcast_in_dim3A_606 = vector.broadcast %jit3A_605 : i32 to vector<16xi32>
    %select_n3A_607 = arith.select %eq3A_604, %iota3A, %broadcast_in_dim3A_606 : vector<16xi1>, vector<16xi32>
    %reduce_min3A_608 = arith.constant true
    %reduce_min3A_609 = vector.broadcast %reduce_min3A_608 : i1 to vector<16xi1>
    %reduce_min3A_610 = arith.constant -2147483648 : i32
    %reduce_min3A_611 = vector.broadcast %reduce_min3A_610 : i32 to vector<16xi32>
    %reduce_min3A_612 = arith.xori %select_n3A_607, %reduce_min3A_611 : vector<16xi32>
    %reduce_min3A_613 = tpu.scan <min>, %reduce_min3A_612 masked %reduce_min3A_609 : vector<16xi32>, vector<16xi1> -> vector<16xi32>
    %reduce_min3A_614 = arith.xori %reduce_min3A_613, %reduce_min3A_611 : vector<16xi32>
    %reduce_min3A_615 = vector.extract %reduce_min3A_614[15] : i32 from vector<16xi32>
    %eq3A_616 = vector.broadcast %reduce_min3A_615 : i32 to vector<16xi32>
    %eq3A_617 = arith.cmpi eq, %iota3A, %eq3A_616 : vector<16xi32>
    %jit3A_618 = arith.constant 0xFF800000 : f32
    %broadcast_in_dim3A_619 = vector.broadcast %jit3A_618 : f32 to vector<16xf32>
    %select_n3A_620 = arith.select %eq3A_617, %broadcast_in_dim3A_619, %get3A_598 : vector<16xi1>, vector<16xf32>
    %reduce_max3A_621 = arith.constant true
    %reduce_max3A_622 = vector.broadcast %reduce_max3A_621 : i1 to vector<16xi1>
    %reduce_max3A_623 = tpu.scan <max>, %select_n3A_620 masked %reduce_max3A_622 : vector<16xf32>, vector<16xi1> -> vector<16xf32>
    %reduce_max3A_624 = vector.extract %reduce_max3A_623[15] : f32 from vector<16xf32>
    %eq3A_625 = vector.broadcast %reduce_max3A_624 : f32 to vector<16xf32>
    %eq3A_626 = arith.cmpf oeq, %select_n3A_620, %eq3A_625 : vector<16xf32>
    %jit3A_627 = arith.constant 16 : i32
    %broadcast_in_dim3A_628 = vector.broadcast %jit3A_627 : i32 to vector<16xi32>
    %select_n3A_629 = arith.select %eq3A_626, %iota3A, %broadcast_in_dim3A_628 : vector<16xi1>, vector<16xi32>
    %reduce_min3A_630 = arith.constant true
    %reduce_min3A_631 = vector.broadcast %reduce_min3A_630 : i1 to vector<16xi1>
    %reduce_min3A_632 = arith.constant -2147483648 : i32
    %reduce_min3A_633 = vector.broadcast %reduce_min3A_632 : i32 to vector<16xi32>
    %reduce_min3A_634 = arith.xori %select_n3A_629, %reduce_min3A_633 : vector<16xi32>
    %reduce_min3A_635 = tpu.scan <min>, %reduce_min3A_634 masked %reduce_min3A_631 : vector<16xi32>, vector<16xi1> -> vector<16xi32>
    %reduce_min3A_636 = arith.xori %reduce_min3A_635, %reduce_min3A_633 : vector<16xi32>
    %reduce_min3A_637 = vector.extract %reduce_min3A_636[15] : i32 from vector<16xi32>
    %sub3A_638 = arith.subf %reduce_max3A_624, %reduce_max3A_602 : f32
    %broadcast_in_dim3A_639 = vector.broadcast %sub3A_638 : f32 to vector<16xf32>
    %exp3A_640 = math.exp %broadcast_in_dim3A_639 : vector<16xf32>
    %add3A_641 = arith.constant 1.000000e+00 : f32
    %add3A_642 = vector.broadcast %add3A_641 : f32 to vector<16xf32>
    %add3A_643 = arith.addf %add3A_642, %exp3A_640 : vector<16xf32>
    %div3A_644 = arith.constant 1.000000e+00 : f32
    %div3A_645 = vector.broadcast %div3A_644 : f32 to vector<16xf32>
    %div3A_646 = arith.divf %div3A_645, %add3A_643 : vector<16xf32>
    %eq3A_647 = vector.broadcast %reduce_min3A_615 : i32 to vector<16xi32>
    %eq3A_648 = arith.cmpi eq, %iota3A, %eq3A_647 : vector<16xi32>
    %eq3A_649 = vector.broadcast %reduce_min3A_637 : i32 to vector<16xi32>
    %eq3A_650 = arith.cmpi eq, %iota3A, %eq3A_649 : vector<16xi32>
    %sub3A_651 = arith.constant 1.000000e+00 : f32
    %sub3A_652 = vector.broadcast %sub3A_651 : f32 to vector<16xf32>
    %sub3A_653 = arith.subf %sub3A_652, %div3A_646 : vector<16xf32>
    %jit3A_654 = arith.constant 0.000000e+00 : f32
    %broadcast_in_dim3A_655 = vector.broadcast %jit3A_654 : f32 to vector<16xf32>
    %select_n3A_656 = arith.select %eq3A_650, %sub3A_653, %broadcast_in_dim3A_655 : vector<16xi1>, vector<16xf32>
    %select_n3A_657 = arith.select %eq3A_648, %div3A_646, %select_n3A_656 : vector<16xi1>, vector<16xf32>
    %swap3A_658 = arith.constant 9 : i32
    %swap3A_659 = arith.index_cast %swap3A_658 : i32 to index
    %swap3A_660 = arith.constant 0 : index
    %swap3A_661 = tpu.vector_load %arg5[%swap3A_659, %swap3A_660] {strides = array<i32>} : memref<16x16xf32, #tpu.memory_space<vmem>>, vector<16xf32>,
    tpu.vector_store %arg5[%swap3A_659, %swap3A_660], %select_n3A_657 {strides = array<i32>} : memref<16x16xf32, #tpu.memory_space<vmem>>, vector<16xf32>,
    %get3A_662 = arith.constant 10 : i32
    %get3A_663 = arith.index_cast %get3A_662 : i32 to index
    %get3A_664 = arith.constant 0 : index
    %get3A_665 = tpu.vector_load %arg4[%get3A_663, %get3A_664] {strides = array<i32>} : memref<16x16xf32, #tpu.memory_space<vmem>>, vector<16xf32>,
    %reduce_max3A_666 = arith.constant true
    %reduce_max3A_667 = vector.broadcast %reduce_max3A_666 : i1 to vector<16xi1>
    %reduce_max3A_668 = tpu.scan <max>, %get3A_665 masked %reduce_max3A_667 : vector<16xf32>, vector<16xi1> -> vector<16xf32>
    %reduce_max3A_669 = vector.extract %reduce_max3A_668[15] : f32 from vector<16xf32>
    %eq3A_670 = vector.broadcast %reduce_max3A_669 : f32 to vector<16xf32>
    %eq3A_671 = arith.cmpf oeq, %get3A_665, %eq3A_670 : vector<16xf32>
    %jit3A_672 = arith.constant 16 : i32
    %broadcast_in_dim3A_673 = vector.broadcast %jit3A_672 : i32 to vector<16xi32>
    %select_n3A_674 = arith.select %eq3A_671, %iota3A, %broadcast_in_dim3A_673 : vector<16xi1>, vector<16xi32>
    %reduce_min3A_675 = arith.constant true
    %reduce_min3A_676 = vector.broadcast %reduce_min3A_675 : i1 to vector<16xi1>
    %reduce_min3A_677 = arith.constant -2147483648 : i32
    %reduce_min3A_678 = vector.broadcast %reduce_min3A_677 : i32 to vector<16xi32>
    %reduce_min3A_679 = arith.xori %select_n3A_674, %reduce_min3A_678 : vector<16xi32>
    %reduce_min3A_680 = tpu.scan <min>, %reduce_min3A_679 masked %reduce_min3A_676 : vector<16xi32>, vector<16xi1> -> vector<16xi32>
    %reduce_min3A_681 = arith.xori %reduce_min3A_680, %reduce_min3A_678 : vector<16xi32>
    %reduce_min3A_682 = vector.extract %reduce_min3A_681[15] : i32 from vector<16xi32>
    %eq3A_683 = vector.broadcast %reduce_min3A_682 : i32 to vector<16xi32>
    %eq3A_684 = arith.cmpi eq, %iota3A, %eq3A_683 : vector<16xi32>
    %jit3A_685 = arith.constant 0xFF800000 : f32
    %broadcast_in_dim3A_686 = vector.broadcast %jit3A_685 : f32 to vector<16xf32>
    %select_n3A_687 = arith.select %eq3A_684, %broadcast_in_dim3A_686, %get3A_665 : vector<16xi1>, vector<16xf32>
    %reduce_max3A_688 = arith.constant true
    %reduce_max3A_689 = vector.broadcast %reduce_max3A_688 : i1 to vector<16xi1>
    %reduce_max3A_690 = tpu.scan <max>, %select_n3A_687 masked %reduce_max3A_689 : vector<16xf32>, vector<16xi1> -> vector<16xf32>
    %reduce_max3A_691 = vector.extract %reduce_max3A_690[15] : f32 from vector<16xf32>
    %eq3A_692 = vector.broadcast %reduce_max3A_691 : f32 to vector<16xf32>
    %eq3A_693 = arith.cmpf oeq, %select_n3A_687, %eq3A_692 : vector<16xf32>
    %jit3A_694 = arith.constant 16 : i32
    %broadcast_in_dim3A_695 = vector.broadcast %jit3A_694 : i32 to vector<16xi32>
    %select_n3A_696 = arith.select %eq3A_693, %iota3A, %broadcast_in_dim3A_695 : vector<16xi1>, vector<16xi32>
    %reduce_min3A_697 = arith.constant true
    %reduce_min3A_698 = vector.broadcast %reduce_min3A_697 : i1 to vector<16xi1>
    %reduce_min3A_699 = arith.constant -2147483648 : i32
    %reduce_min3A_700 = vector.broadcast %reduce_min3A_699 : i32 to vector<16xi32>
    %reduce_min3A_701 = arith.xori %select_n3A_696, %reduce_min3A_700 : vector<16xi32>
    %reduce_min3A_702 = tpu.scan <min>, %reduce_min3A_701 masked %reduce_min3A_698 : vector<16xi32>, vector<16xi1> -> vector<16xi32>
    %reduce_min3A_703 = arith.xori %reduce_min3A_702, %reduce_min3A_700 : vector<16xi32>
    %reduce_min3A_704 = vector.extract %reduce_min3A_703[15] : i32 from vector<16xi32>
    %sub3A_705 = arith.subf %reduce_max3A_691, %reduce_max3A_669 : f32
    %broadcast_in_dim3A_706 = vector.broadcast %sub3A_705 : f32 to vector<16xf32>
    %exp3A_707 = math.exp %broadcast_in_dim3A_706 : vector<16xf32>
    %add3A_708 = arith.constant 1.000000e+00 : f32
    %add3A_709 = vector.broadcast %add3A_708 : f32 to vector<16xf32>
    %add3A_710 = arith.addf %add3A_709, %exp3A_707 : vector<16xf32>
    %div3A_711 = arith.constant 1.000000e+00 : f32
    %div3A_712 = vector.broadcast %div3A_711 : f32 to vector<16xf32>
    %div3A_713 = arith.divf %div3A_712, %add3A_710 : vector<16xf32>
    %eq3A_714 = vector.broadcast %reduce_min3A_682 : i32 to vector<16xi32>
    %eq3A_715 = arith.cmpi eq, %iota3A, %eq3A_714 : vector<16xi32>
    %eq3A_716 = vector.broadcast %reduce_min3A_704 : i32 to vector<16xi32>
    %eq3A_717 = arith.cmpi eq, %iota3A, %eq3A_716 : vector<16xi32>
    %sub3A_718 = arith.constant 1.000000e+00 : f32
    %sub3A_719 = vector.broadcast %sub3A_718 : f32 to vector<16xf32>
    %sub3A_720 = arith.subf %sub3A_719, %div3A_713 : vector<16xf32>
    %jit3A_721 = arith.constant 0.000000e+00 : f32
    %broadcast_in_dim3A_722 = vector.broadcast %jit3A_721 : f32 to vector<16xf32>
    %select_n3A_723 = arith.select %eq3A_717, %sub3A_720, %broadcast_in_dim3A_722 : vector<16xi1>, vector<16xf32>
    %select_n3A_724 = arith.select %eq3A_715, %div3A_713, %select_n3A_723 : vector<16xi1>, vector<16xf32>
    %swap3A_725 = arith.constant 10 : i32
    %swap3A_726 = arith.index_cast %swap3A_725 : i32 to index
    %swap3A_727 = arith.constant 0 : index
    %swap3A_728 = tpu.vector_load %arg5[%swap3A_726, %swap3A_727] {strides = array<i32>} : memref<16x16xf32, #tpu.memory_space<vmem>>, vector<16xf32>,
    tpu.vector_store %arg5[%swap3A_726, %swap3A_727], %select_n3A_724 {strides = array<i32>} : memref<16x16xf32, #tpu.memory_space<vmem>>, vector<16xf32>,
    %get3A_729 = arith.constant 11 : i32
    %get3A_730 = arith.index_cast %get3A_729 : i32 to index
    %get3A_731 = arith.constant 0 : index
    %get3A_732 = tpu.vector_load %arg4[%get3A_730, %get3A_731] {strides = array<i32>} : memref<16x16xf32, #tpu.memory_space<vmem>>, vector<16xf32>,
    %reduce_max3A_733 = arith.constant true
    %reduce_max3A_734 = vector.broadcast %reduce_max3A_733 : i1 to vector<16xi1>
    %reduce_max3A_735 = tpu.scan <max>, %get3A_732 masked %reduce_max3A_734 : vector<16xf32>, vector<16xi1> -> vector<16xf32>
    %reduce_max3A_736 = vector.extract %reduce_max3A_735[15] : f32 from vector<16xf32>
    %eq3A_737 = vector.broadcast %reduce_max3A_736 : f32 to vector<16xf32>
    %eq3A_738 = arith.cmpf oeq, %get3A_732, %eq3A_737 : vector<16xf32>
    %jit3A_739 = arith.constant 16 : i32
    %broadcast_in_dim3A_740 = vector.broadcast %jit3A_739 : i32 to vector<16xi32>
    %select_n3A_741 = arith.select %eq3A_738, %iota3A, %broadcast_in_dim3A_740 : vector<16xi1>, vector<16xi32>
    %reduce_min3A_742 = arith.constant true
    %reduce_min3A_743 = vector.broadcast %reduce_min3A_742 : i1 to vector<16xi1>
    %reduce_min3A_744 = arith.constant -2147483648 : i32
    %reduce_min3A_745 = vector.broadcast %reduce_min3A_744 : i32 to vector<16xi32>
    %reduce_min3A_746 = arith.xori %select_n3A_741, %reduce_min3A_745 : vector<16xi32>
    %reduce_min3A_747 = tpu.scan <min>, %reduce_min3A_746 masked %reduce_min3A_743 : vector<16xi32>, vector<16xi1> -> vector<16xi32>
    %reduce_min3A_748 = arith.xori %reduce_min3A_747, %reduce_min3A_745 : vector<16xi32>
    %reduce_min3A_749 = vector.extract %reduce_min3A_748[15] : i32 from vector<16xi32>
    %eq3A_750 = vector.broadcast %reduce_min3A_749 : i32 to vector<16xi32>
    %eq3A_751 = arith.cmpi eq, %iota3A, %eq3A_750 : vector<16xi32>
    %jit3A_752 = arith.constant 0xFF800000 : f32
    %broadcast_in_dim3A_753 = vector.broadcast %jit3A_752 : f32 to vector<16xf32>
    %select_n3A_754 = arith.select %eq3A_751, %broadcast_in_dim3A_753, %get3A_732 : vector<16xi1>, vector<16xf32>
    %reduce_max3A_755 = arith.constant true
    %reduce_max3A_756 = vector.broadcast %reduce_max3A_755 : i1 to vector<16xi1>
    %reduce_max3A_757 = tpu.scan <max>, %select_n3A_754 masked %reduce_max3A_756 : vector<16xf32>, vector<16xi1> -> vector<16xf32>
    %reduce_max3A_758 = vector.extract %reduce_max3A_757[15] : f32 from vector<16xf32>
    %eq3A_759 = vector.broadcast %reduce_max3A_758 : f32 to vector<16xf32>
    %eq3A_760 = arith.cmpf oeq, %select_n3A_754, %eq3A_759 : vector<16xf32>
    %jit3A_761 = arith.constant 16 : i32
    %broadcast_in_dim3A_762 = vector.broadcast %jit3A_761 : i32 to vector<16xi32>
    %select_n3A_763 = arith.select %eq3A_760, %iota3A, %broadcast_in_dim3A_762 : vector<16xi1>, vector<16xi32>
    %reduce_min3A_764 = arith.constant true
    %reduce_min3A_765 = vector.broadcast %reduce_min3A_764 : i1 to vector<16xi1>
    %reduce_min3A_766 = arith.constant -2147483648 : i32
    %reduce_min3A_767 = vector.broadcast %reduce_min3A_766 : i32 to vector<16xi32>
    %reduce_min3A_768 = arith.xori %select_n3A_763, %reduce_min3A_767 : vector<16xi32>
    %reduce_min3A_769 = tpu.scan <min>, %reduce_min3A_768 masked %reduce_min3A_765 : vector<16xi32>, vector<16xi1> -> vector<16xi32>
    %reduce_min3A_770 = arith.xori %reduce_min3A_769, %reduce_min3A_767 : vector<16xi32>
    %reduce_min3A_771 = vector.extract %reduce_min3A_770[15] : i32 from vector<16xi32>
    %sub3A_772 = arith.subf %reduce_max3A_758, %reduce_max3A_736 : f32
    %broadcast_in_dim3A_773 = vector.broadcast %sub3A_772 : f32 to vector<16xf32>
    %exp3A_774 = math.exp %broadcast_in_dim3A_773 : vector<16xf32>
    %add3A_775 = arith.constant 1.000000e+00 : f32
    %add3A_776 = vector.broadcast %add3A_775 : f32 to vector<16xf32>
    %add3A_777 = arith.addf %add3A_776, %exp3A_774 : vector<16xf32>
    %div3A_778 = arith.constant 1.000000e+00 : f32
    %div3A_779 = vector.broadcast %div3A_778 : f32 to vector<16xf32>
    %div3A_780 = arith.divf %div3A_779, %add3A_777 : vector<16xf32>
    %eq3A_781 = vector.broadcast %reduce_min3A_749 : i32 to vector<16xi32>
    %eq3A_782 = arith.cmpi eq, %iota3A, %eq3A_781 : vector<16xi32>
    %eq3A_783 = vector.broadcast %reduce_min3A_771 : i32 to vector<16xi32>
    %eq3A_784 = arith.cmpi eq, %iota3A, %eq3A_783 : vector<16xi32>
    %sub3A_785 = arith.constant 1.000000e+00 : f32
    %sub3A_786 = vector.broadcast %sub3A_785 : f32 to vector<16xf32>
    %sub3A_787 = arith.subf %sub3A_786, %div3A_780 : vector<16xf32>
    %jit3A_788 = arith.constant 0.000000e+00 : f32
    %broadcast_in_dim3A_789 = vector.broadcast %jit3A_788 : f32 to vector<16xf32>
    %select_n3A_790 = arith.select %eq3A_784, %sub3A_787, %broadcast_in_dim3A_789 : vector<16xi1>, vector<16xf32>
    %select_n3A_791 = arith.select %eq3A_782, %div3A_780, %select_n3A_790 : vector<16xi1>, vector<16xf32>
    %swap3A_792 = arith.constant 11 : i32
    %swap3A_793 = arith.index_cast %swap3A_792 : i32 to index
    %swap3A_794 = arith.constant 0 : index
    %swap3A_795 = tpu.vector_load %arg5[%swap3A_793, %swap3A_794] {strides = array<i32>} : memref<16x16xf32, #tpu.memory_space<vmem>>, vector<16xf32>,
    tpu.vector_store %arg5[%swap3A_793, %swap3A_794], %select_n3A_791 {strides = array<i32>} : memref<16x16xf32, #tpu.memory_space<vmem>>, vector<16xf32>,
    %get3A_796 = arith.constant 12 : i32
    %get3A_797 = arith.index_cast %get3A_796 : i32 to index
    %get3A_798 = arith.constant 0 : index
    %get3A_799 = tpu.vector_load %arg4[%get3A_797, %get3A_798] {strides = array<i32>} : memref<16x16xf32, #tpu.memory_space<vmem>>, vector<16xf32>,
    %reduce_max3A_800 = arith.constant true
    %reduce_max3A_801 = vector.broadcast %reduce_max3A_800 : i1 to vector<16xi1>
    %reduce_max3A_802 = tpu.scan <max>, %get3A_799 masked %reduce_max3A_801 : vector<16xf32>, vector<16xi1> -> vector<16xf32>
    %reduce_max3A_803 = vector.extract %reduce_max3A_802[15] : f32 from vector<16xf32>
    %eq3A_804 = vector.broadcast %reduce_max3A_803 : f32 to vector<16xf32>
    %eq3A_805 = arith.cmpf oeq, %get3A_799, %eq3A_804 : vector<16xf32>
    %jit3A_806 = arith.constant 16 : i32
    %broadcast_in_dim3A_807 = vector.broadcast %jit3A_806 : i32 to vector<16xi32>
    %select_n3A_808 = arith.select %eq3A_805, %iota3A, %broadcast_in_dim3A_807 : vector<16xi1>, vector<16xi32>
    %reduce_min3A_809 = arith.constant true
    %reduce_min3A_810 = vector.broadcast %reduce_min3A_809 : i1 to vector<16xi1>
    %reduce_min3A_811 = arith.constant -2147483648 : i32
    %reduce_min3A_812 = vector.broadcast %reduce_min3A_811 : i32 to vector<16xi32>
    %reduce_min3A_813 = arith.xori %select_n3A_808, %reduce_min3A_812 : vector<16xi32>
    %reduce_min3A_814 = tpu.scan <min>, %reduce_min3A_813 masked %reduce_min3A_810 : vector<16xi32>, vector<16xi1> -> vector<16xi32>
    %reduce_min3A_815 = arith.xori %reduce_min3A_814, %reduce_min3A_812 : vector<16xi32>
    %reduce_min3A_816 = vector.extract %reduce_min3A_815[15] : i32 from vector<16xi32>
    %eq3A_817 = vector.broadcast %reduce_min3A_816 : i32 to vector<16xi32>
    %eq3A_818 = arith.cmpi eq, %iota3A, %eq3A_817 : vector<16xi32>
    %jit3A_819 = arith.constant 0xFF800000 : f32
    %broadcast_in_dim3A_820 = vector.broadcast %jit3A_819 : f32 to vector<16xf32>
    %select_n3A_821 = arith.select %eq3A_818, %broadcast_in_dim3A_820, %get3A_799 : vector<16xi1>, vector<16xf32>
    %reduce_max3A_822 = arith.constant true
    %reduce_max3A_823 = vector.broadcast %reduce_max3A_822 : i1 to vector<16xi1>
    %reduce_max3A_824 = tpu.scan <max>, %select_n3A_821 masked %reduce_max3A_823 : vector<16xf32>, vector<16xi1> -> vector<16xf32>
    %reduce_max3A_825 = vector.extract %reduce_max3A_824[15] : f32 from vector<16xf32>
    %eq3A_826 = vector.broadcast %reduce_max3A_825 : f32 to vector<16xf32>
    %eq3A_827 = arith.cmpf oeq, %select_n3A_821, %eq3A_826 : vector<16xf32>
    %jit3A_828 = arith.constant 16 : i32
    %broadcast_in_dim3A_829 = vector.broadcast %jit3A_828 : i32 to vector<16xi32>
    %select_n3A_830 = arith.select %eq3A_827, %iota3A, %broadcast_in_dim3A_829 : vector<16xi1>, vector<16xi32>
    %reduce_min3A_831 = arith.constant true
    %reduce_min3A_832 = vector.broadcast %reduce_min3A_831 : i1 to vector<16xi1>
    %reduce_min3A_833 = arith.constant -2147483648 : i32
    %reduce_min3A_834 = vector.broadcast %reduce_min3A_833 : i32 to vector<16xi32>
    %reduce_min3A_835 = arith.xori %select_n3A_830, %reduce_min3A_834 : vector<16xi32>
    %reduce_min3A_836 = tpu.scan <min>, %reduce_min3A_835 masked %reduce_min3A_832 : vector<16xi32>, vector<16xi1> -> vector<16xi32>
    %reduce_min3A_837 = arith.xori %reduce_min3A_836, %reduce_min3A_834 : vector<16xi32>
    %reduce_min3A_838 = vector.extract %reduce_min3A_837[15] : i32 from vector<16xi32>
    %sub3A_839 = arith.subf %reduce_max3A_825, %reduce_max3A_803 : f32
    %broadcast_in_dim3A_840 = vector.broadcast %sub3A_839 : f32 to vector<16xf32>
    %exp3A_841 = math.exp %broadcast_in_dim3A_840 : vector<16xf32>
    %add3A_842 = arith.constant 1.000000e+00 : f32
    %add3A_843 = vector.broadcast %add3A_842 : f32 to vector<16xf32>
    %add3A_844 = arith.addf %add3A_843, %exp3A_841 : vector<16xf32>
    %div3A_845 = arith.constant 1.000000e+00 : f32
    %div3A_846 = vector.broadcast %div3A_845 : f32 to vector<16xf32>
    %div3A_847 = arith.divf %div3A_846, %add3A_844 : vector<16xf32>
    %eq3A_848 = vector.broadcast %reduce_min3A_816 : i32 to vector<16xi32>
    %eq3A_849 = arith.cmpi eq, %iota3A, %eq3A_848 : vector<16xi32>
    %eq3A_850 = vector.broadcast %reduce_min3A_838 : i32 to vector<16xi32>
    %eq3A_851 = arith.cmpi eq, %iota3A, %eq3A_850 : vector<16xi32>
    %sub3A_852 = arith.constant 1.000000e+00 : f32
    %sub3A_853 = vector.broadcast %sub3A_852 : f32 to vector<16xf32>
    %sub3A_854 = arith.subf %sub3A_853, %div3A_847 : vector<16xf32>
    %jit3A_855 = arith.constant 0.000000e+00 : f32
    %broadcast_in_dim3A_856 = vector.broadcast %jit3A_855 : f32 to vector<16xf32>
    %select_n3A_857 = arith.select %eq3A_851, %sub3A_854, %broadcast_in_dim3A_856 : vector<16xi1>, vector<16xf32>
    %select_n3A_858 = arith.select %eq3A_849, %div3A_847, %select_n3A_857 : vector<16xi1>, vector<16xf32>
    %swap3A_859 = arith.constant 12 : i32
    %swap3A_860 = arith.index_cast %swap3A_859 : i32 to index
    %swap3A_861 = arith.constant 0 : index
    %swap3A_862 = tpu.vector_load %arg5[%swap3A_860, %swap3A_861] {strides = array<i32>} : memref<16x16xf32, #tpu.memory_space<vmem>>, vector<16xf32>,
    tpu.vector_store %arg5[%swap3A_860, %swap3A_861], %select_n3A_858 {strides = array<i32>} : memref<16x16xf32, #tpu.memory_space<vmem>>, vector<16xf32>,
    %get3A_863 = arith.constant 13 : i32
    %get3A_864 = arith.index_cast %get3A_863 : i32 to index
    %get3A_865 = arith.constant 0 : index
    %get3A_866 = tpu.vector_load %arg4[%get3A_864, %get3A_865] {strides = array<i32>} : memref<16x16xf32, #tpu.memory_space<vmem>>, vector<16xf32>,
    %reduce_max3A_867 = arith.constant true
    %reduce_max3A_868 = vector.broadcast %reduce_max3A_867 : i1 to vector<16xi1>
    %reduce_max3A_869 = tpu.scan <max>, %get3A_866 masked %reduce_max3A_868 : vector<16xf32>, vector<16xi1> -> vector<16xf32>
    %reduce_max3A_870 = vector.extract %reduce_max3A_869[15] : f32 from vector<16xf32>
    %eq3A_871 = vector.broadcast %reduce_max3A_870 : f32 to vector<16xf32>
    %eq3A_872 = arith.cmpf oeq, %get3A_866, %eq3A_871 : vector<16xf32>
    %jit3A_873 = arith.constant 16 : i32
    %broadcast_in_dim3A_874 = vector.broadcast %jit3A_873 : i32 to vector<16xi32>
    %select_n3A_875 = arith.select %eq3A_872, %iota3A, %broadcast_in_dim3A_874 : vector<16xi1>, vector<16xi32>
    %reduce_min3A_876 = arith.constant true
    %reduce_min3A_877 = vector.broadcast %reduce_min3A_876 : i1 to vector<16xi1>
    %reduce_min3A_878 = arith.constant -2147483648 : i32
    %reduce_min3A_879 = vector.broadcast %reduce_min3A_878 : i32 to vector<16xi32>
    %reduce_min3A_880 = arith.xori %select_n3A_875, %reduce_min3A_879 : vector<16xi32>
    %reduce_min3A_881 = tpu.scan <min>, %reduce_min3A_880 masked %reduce_min3A_877 : vector<16xi32>, vector<16xi1> -> vector<16xi32>
    %reduce_min3A_882 = arith.xori %reduce_min3A_881, %reduce_min3A_879 : vector<16xi32>
    %reduce_min3A_883 = vector.extract %reduce_min3A_882[15] : i32 from vector<16xi32>
    %eq3A_884 = vector.broadcast %reduce_min3A_883 : i32 to vector<16xi32>
    %eq3A_885 = arith.cmpi eq, %iota3A, %eq3A_884 : vector<16xi32>
    %jit3A_886 = arith.constant 0xFF800000 : f32
    %broadcast_in_dim3A_887 = vector.broadcast %jit3A_886 : f32 to vector<16xf32>
    %select_n3A_888 = arith.select %eq3A_885, %broadcast_in_dim3A_887, %get3A_866 : vector<16xi1>, vector<16xf32>
    %reduce_max3A_889 = arith.constant true
    %reduce_max3A_890 = vector.broadcast %reduce_max3A_889 : i1 to vector<16xi1>
    %reduce_max3A_891 = tpu.scan <max>, %select_n3A_888 masked %reduce_max3A_890 : vector<16xf32>, vector<16xi1> -> vector<16xf32>
    %reduce_max3A_892 = vector.extract %reduce_max3A_891[15] : f32 from vector<16xf32>
    %eq3A_893 = vector.broadcast %reduce_max3A_892 : f32 to vector<16xf32>
    %eq3A_894 = arith.cmpf oeq, %select_n3A_888, %eq3A_893 : vector<16xf32>
    %jit3A_895 = arith.constant 16 : i32
    %broadcast_in_dim3A_896 = vector.broadcast %jit3A_895 : i32 to vector<16xi32>
    %select_n3A_897 = arith.select %eq3A_894, %iota3A, %broadcast_in_dim3A_896 : vector<16xi1>, vector<16xi32>
    %reduce_min3A_898 = arith.constant true
    %reduce_min3A_899 = vector.broadcast %reduce_min3A_898 : i1 to vector<16xi1>
    %reduce_min3A_900 = arith.constant -2147483648 : i32
    %reduce_min3A_901 = vector.broadcast %reduce_min3A_900 : i32 to vector<16xi32>
    %reduce_min3A_902 = arith.xori %select_n3A_897, %reduce_min3A_901 : vector<16xi32>
    %reduce_min3A_903 = tpu.scan <min>, %reduce_min3A_902 masked %reduce_min3A_899 : vector<16xi32>, vector<16xi1> -> vector<16xi32>
    %reduce_min3A_904 = arith.xori %reduce_min3A_903, %reduce_min3A_901 : vector<16xi32>
    %reduce_min3A_905 = vector.extract %reduce_min3A_904[15] : i32 from vector<16xi32>
    %sub3A_906 = arith.subf %reduce_max3A_892, %reduce_max3A_870 : f32
    %broadcast_in_dim3A_907 = vector.broadcast %sub3A_906 : f32 to vector<16xf32>
    %exp3A_908 = math.exp %broadcast_in_dim3A_907 : vector<16xf32>
    %add3A_909 = arith.constant 1.000000e+00 : f32
    %add3A_910 = vector.broadcast %add3A_909 : f32 to vector<16xf32>
    %add3A_911 = arith.addf %add3A_910, %exp3A_908 : vector<16xf32>
    %div3A_912 = arith.constant 1.000000e+00 : f32
    %div3A_913 = vector.broadcast %div3A_912 : f32 to vector<16xf32>
    %div3A_914 = arith.divf %div3A_913, %add3A_911 : vector<16xf32>
    %eq3A_915 = vector.broadcast %reduce_min3A_883 : i32 to vector<16xi32>
    %eq3A_916 = arith.cmpi eq, %iota3A, %eq3A_915 : vector<16xi32>
    %eq3A_917 = vector.broadcast %reduce_min3A_905 : i32 to vector<16xi32>
    %eq3A_918 = arith.cmpi eq, %iota3A, %eq3A_917 : vector<16xi32>
    %sub3A_919 = arith.constant 1.000000e+00 : f32
    %sub3A_920 = vector.broadcast %sub3A_919 : f32 to vector<16xf32>
    %sub3A_921 = arith.subf %sub3A_920, %div3A_914 : vector<16xf32>
    %jit3A_922 = arith.constant 0.000000e+00 : f32
    %broadcast_in_dim3A_923 = vector.broadcast %jit3A_922 : f32 to vector<16xf32>
    %select_n3A_924 = arith.select %eq3A_918, %sub3A_921, %broadcast_in_dim3A_923 : vector<16xi1>, vector<16xf32>
    %select_n3A_925 = arith.select %eq3A_916, %div3A_914, %select_n3A_924 : vector<16xi1>, vector<16xf32>
    %swap3A_926 = arith.constant 13 : i32
    %swap3A_927 = arith.index_cast %swap3A_926 : i32 to index
    %swap3A_928 = arith.constant 0 : index
    %swap3A_929 = tpu.vector_load %arg5[%swap3A_927, %swap3A_928] {strides = array<i32>} : memref<16x16xf32, #tpu.memory_space<vmem>>, vector<16xf32>,
    tpu.vector_store %arg5[%swap3A_927, %swap3A_928], %select_n3A_925 {strides = array<i32>} : memref<16x16xf32, #tpu.memory_space<vmem>>, vector<16xf32>,
    %get3A_930 = arith.constant 14 : i32
    %get3A_931 = arith.index_cast %get3A_930 : i32 to index
    %get3A_932 = arith.constant 0 : index
    %get3A_933 = tpu.vector_load %arg4[%get3A_931, %get3A_932] {strides = array<i32>} : memref<16x16xf32, #tpu.memory_space<vmem>>, vector<16xf32>,
    %reduce_max3A_934 = arith.constant true
    %reduce_max3A_935 = vector.broadcast %reduce_max3A_934 : i1 to vector<16xi1>
    %reduce_max3A_936 = tpu.scan <max>, %get3A_933 masked %reduce_max3A_935 : vector<16xf32>, vector<16xi1> -> vector<16xf32>
    %reduce_max3A_937 = vector.extract %reduce_max3A_936[15] : f32 from vector<16xf32>
    %eq3A_938 = vector.broadcast %reduce_max3A_937 : f32 to vector<16xf32>
    %eq3A_939 = arith.cmpf oeq, %get3A_933, %eq3A_938 : vector<16xf32>
    %jit3A_940 = arith.constant 16 : i32
    %broadcast_in_dim3A_941 = vector.broadcast %jit3A_940 : i32 to vector<16xi32>
    %select_n3A_942 = arith.select %eq3A_939, %iota3A, %broadcast_in_dim3A_941 : vector<16xi1>, vector<16xi32>
    %reduce_min3A_943 = arith.constant true
    %reduce_min3A_944 = vector.broadcast %reduce_min3A_943 : i1 to vector<16xi1>
    %reduce_min3A_945 = arith.constant -2147483648 : i32
    %reduce_min3A_946 = vector.broadcast %reduce_min3A_945 : i32 to vector<16xi32>
    %reduce_min3A_947 = arith.xori %select_n3A_942, %reduce_min3A_946 : vector<16xi32>
    %reduce_min3A_948 = tpu.scan <min>, %reduce_min3A_947 masked %reduce_min3A_944 : vector<16xi32>, vector<16xi1> -> vector<16xi32>
    %reduce_min3A_949 = arith.xori %reduce_min3A_948, %reduce_min3A_946 : vector<16xi32>
    %reduce_min3A_950 = vector.extract %reduce_min3A_949[15] : i32 from vector<16xi32>
    %eq3A_951 = vector.broadcast %reduce_min3A_950 : i32 to vector<16xi32>
    %eq3A_952 = arith.cmpi eq, %iota3A, %eq3A_951 : vector<16xi32>
    %jit3A_953 = arith.constant 0xFF800000 : f32
    %broadcast_in_dim3A_954 = vector.broadcast %jit3A_953 : f32 to vector<16xf32>
    %select_n3A_955 = arith.select %eq3A_952, %broadcast_in_dim3A_954, %get3A_933 : vector<16xi1>, vector<16xf32>
    %reduce_max3A_956 = arith.constant true
    %reduce_max3A_957 = vector.broadcast %reduce_max3A_956 : i1 to vector<16xi1>
    %reduce_max3A_958 = tpu.scan <max>, %select_n3A_955 masked %reduce_max3A_957 : vector<16xf32>, vector<16xi1> -> vector<16xf32>
    %reduce_max3A_959 = vector.extract %reduce_max3A_958[15] : f32 from vector<16xf32>
    %eq3A_960 = vector.broadcast %reduce_max3A_959 : f32 to vector<16xf32>
    %eq3A_961 = arith.cmpf oeq, %select_n3A_955, %eq3A_960 : vector<16xf32>
    %jit3A_962 = arith.constant 16 : i32
    %broadcast_in_dim3A_963 = vector.broadcast %jit3A_962 : i32 to vector<16xi32>
    %select_n3A_964 = arith.select %eq3A_961, %iota3A, %broadcast_in_dim3A_963 : vector<16xi1>, vector<16xi32>
    %reduce_min3A_965 = arith.constant true
    %reduce_min3A_966 = vector.broadcast %reduce_min3A_965 : i1 to vector<16xi1>
    %reduce_min3A_967 = arith.constant -2147483648 : i32
    %reduce_min3A_968 = vector.broadcast %reduce_min3A_967 : i32 to vector<16xi32>
    %reduce_min3A_969 = arith.xori %select_n3A_964, %reduce_min3A_968 : vector<16xi32>
    %reduce_min3A_970 = tpu.scan <min>, %reduce_min3A_969 masked %reduce_min3A_966 : vector<16xi32>, vector<16xi1> -> vector<16xi32>
    %reduce_min3A_971 = arith.xori %reduce_min3A_970, %reduce_min3A_968 : vector<16xi32>
    %reduce_min3A_972 = vector.extract %reduce_min3A_971[15] : i32 from vector<16xi32>
    %sub3A_973 = arith.subf %reduce_max3A_959, %reduce_max3A_937 : f32
    %broadcast_in_dim3A_974 = vector.broadcast %sub3A_973 : f32 to vector<16xf32>
    %exp3A_975 = math.exp %broadcast_in_dim3A_974 : vector<16xf32>
    %add3A_976 = arith.constant 1.000000e+00 : f32
    %add3A_977 = vector.broadcast %add3A_976 : f32 to vector<16xf32>
    %add3A_978 = arith.addf %add3A_977, %exp3A_975 : vector<16xf32>
    %div3A_979 = arith.constant 1.000000e+00 : f32
    %div3A_980 = vector.broadcast %div3A_979 : f32 to vector<16xf32>
    %div3A_981 = arith.divf %div3A_980, %add3A_978 : vector<16xf32>
    %eq3A_982 = vector.broadcast %reduce_min3A_950 : i32 to vector<16xi32>
    %eq3A_983 = arith.cmpi eq, %iota3A, %eq3A_982 : vector<16xi32>
    %eq3A_984 = vector.broadcast %reduce_min3A_972 : i32 to vector<16xi32>
    %eq3A_985 = arith.cmpi eq, %iota3A, %eq3A_984 : vector<16xi32>
    %sub3A_986 = arith.constant 1.000000e+00 : f32
    %sub3A_987 = vector.broadcast %sub3A_986 : f32 to vector<16xf32>
    %sub3A_988 = arith.subf %sub3A_987, %div3A_981 : vector<16xf32>
    %jit3A_989 = arith.constant 0.000000e+00 : f32
    %broadcast_in_dim3A_990 = vector.broadcast %jit3A_989 : f32 to vector<16xf32>
    %select_n3A_991 = arith.select %eq3A_985, %sub3A_988, %broadcast_in_dim3A_990 : vector<16xi1>, vector<16xf32>
    %select_n3A_992 = arith.select %eq3A_983, %div3A_981, %select_n3A_991 : vector<16xi1>, vector<16xf32>
    %swap3A_993 = arith.constant 14 : i32
    %swap3A_994 = arith.index_cast %swap3A_993 : i32 to index
    %swap3A_995 = arith.constant 0 : index
    %swap3A_996 = tpu.vector_load %arg5[%swap3A_994, %swap3A_995] {strides = array<i32>} : memref<16x16xf32, #tpu.memory_space<vmem>>, vector<16xf32>,
    tpu.vector_store %arg5[%swap3A_994, %swap3A_995], %select_n3A_992 {strides = array<i32>} : memref<16x16xf32, #tpu.memory_space<vmem>>, vector<16xf32>,
    %get3A_997 = arith.constant 15 : i32
    %get3A_998 = arith.index_cast %get3A_997 : i32 to index
    %get3A_999 = arith.constant 0 : index
    %get3A_1000 = tpu.vector_load %arg4[%get3A_998, %get3A_999] {strides = array<i32>} : memref<16x16xf32, #tpu.memory_space<vmem>>, vector<16xf32>,
    %reduce_max3A_1001 = arith.constant true
    %reduce_max3A_1002 = vector.broadcast %reduce_max3A_1001 : i1 to vector<16xi1>
    %reduce_max3A_1003 = tpu.scan <max>, %get3A_1000 masked %reduce_max3A_1002 : vector<16xf32>, vector<16xi1> -> vector<16xf32>
    %reduce_max3A_1004 = vector.extract %reduce_max3A_1003[15] : f32 from vector<16xf32>
    %eq3A_1005 = vector.broadcast %reduce_max3A_1004 : f32 to vector<16xf32>
    %eq3A_1006 = arith.cmpf oeq, %get3A_1000, %eq3A_1005 : vector<16xf32>
    %jit3A_1007 = arith.constant 16 : i32
    %broadcast_in_dim3A_1008 = vector.broadcast %jit3A_1007 : i32 to vector<16xi32>
    %select_n3A_1009 = arith.select %eq3A_1006, %iota3A, %broadcast_in_dim3A_1008 : vector<16xi1>, vector<16xi32>
    %reduce_min3A_1010 = arith.constant true
    %reduce_min3A_1011 = vector.broadcast %reduce_min3A_1010 : i1 to vector<16xi1>
    %reduce_min3A_1012 = arith.constant -2147483648 : i32
    %reduce_min3A_1013 = vector.broadcast %reduce_min3A_1012 : i32 to vector<16xi32>
    %reduce_min3A_1014 = arith.xori %select_n3A_1009, %reduce_min3A_1013 : vector<16xi32>
    %reduce_min3A_1015 = tpu.scan <min>, %reduce_min3A_1014 masked %reduce_min3A_1011 : vector<16xi32>, vector<16xi1> -> vector<16xi32>
    %reduce_min3A_1016 = arith.xori %reduce_min3A_1015, %reduce_min3A_1013 : vector<16xi32>
    %reduce_min3A_1017 = vector.extract %reduce_min3A_1016[15] : i32 from vector<16xi32>
    %eq3A_1018 = vector.broadcast %reduce_min3A_1017 : i32 to vector<16xi32>
    %eq3A_1019 = arith.cmpi eq, %iota3A, %eq3A_1018 : vector<16xi32>
    %jit3A_1020 = arith.constant 0xFF800000 : f32
    %broadcast_in_dim3A_1021 = vector.broadcast %jit3A_1020 : f32 to vector<16xf32>
    %select_n3A_1022 = arith.select %eq3A_1019, %broadcast_in_dim3A_1021, %get3A_1000 : vector<16xi1>, vector<16xf32>
    %reduce_max3A_1023 = arith.constant true
    %reduce_max3A_1024 = vector.broadcast %reduce_max3A_1023 : i1 to vector<16xi1>
    %reduce_max3A_1025 = tpu.scan <max>, %select_n3A_1022 masked %reduce_max3A_1024 : vector<16xf32>, vector<16xi1> -> vector<16xf32>
    %reduce_max3A_1026 = vector.extract %reduce_max3A_1025[15] : f32 from vector<16xf32>
    %eq3A_1027 = vector.broadcast %reduce_max3A_1026 : f32 to vector<16xf32>
    %eq3A_1028 = arith.cmpf oeq, %select_n3A_1022, %eq3A_1027 : vector<16xf32>
    %jit3A_1029 = arith.constant 16 : i32
    %broadcast_in_dim3A_1030 = vector.broadcast %jit3A_1029 : i32 to vector<16xi32>
    %select_n3A_1031 = arith.select %eq3A_1028, %iota3A, %broadcast_in_dim3A_1030 : vector<16xi1>, vector<16xi32>
    %reduce_min3A_1032 = arith.constant true
    %reduce_min3A_1033 = vector.broadcast %reduce_min3A_1032 : i1 to vector<16xi1>
    %reduce_min3A_1034 = arith.constant -2147483648 : i32
    %reduce_min3A_1035 = vector.broadcast %reduce_min3A_1034 : i32 to vector<16xi32>
    %reduce_min3A_1036 = arith.xori %select_n3A_1031, %reduce_min3A_1035 : vector<16xi32>
    %reduce_min3A_1037 = tpu.scan <min>, %reduce_min3A_1036 masked %reduce_min3A_1033 : vector<16xi32>, vector<16xi1> -> vector<16xi32>
    %reduce_min3A_1038 = arith.xori %reduce_min3A_1037, %reduce_min3A_1035 : vector<16xi32>
    %reduce_min3A_1039 = vector.extract %reduce_min3A_1038[15] : i32 from vector<16xi32>
    %sub3A_1040 = arith.subf %reduce_max3A_1026, %reduce_max3A_1004 : f32
    %broadcast_in_dim3A_1041 = vector.broadcast %sub3A_1040 : f32 to vector<16xf32>
    %exp3A_1042 = math.exp %broadcast_in_dim3A_1041 : vector<16xf32>
    %add3A_1043 = arith.constant 1.000000e+00 : f32
    %add3A_1044 = vector.broadcast %add3A_1043 : f32 to vector<16xf32>
    %add3A_1045 = arith.addf %add3A_1044, %exp3A_1042 : vector<16xf32>
    %div3A_1046 = arith.constant 1.000000e+00 : f32
    %div3A_1047 = vector.broadcast %div3A_1046 : f32 to vector<16xf32>
    %div3A_1048 = arith.divf %div3A_1047, %add3A_1045 : vector<16xf32>
    %eq3A_1049 = vector.broadcast %reduce_min3A_1017 : i32 to vector<16xi32>
    %eq3A_1050 = arith.cmpi eq, %iota3A, %eq3A_1049 : vector<16xi32>
    %eq3A_1051 = vector.broadcast %reduce_min3A_1039 : i32 to vector<16xi32>
    %eq3A_1052 = arith.cmpi eq, %iota3A, %eq3A_1051 : vector<16xi32>
    %sub3A_1053 = arith.constant 1.000000e+00 : f32
    %sub3A_1054 = vector.broadcast %sub3A_1053 : f32 to vector<16xf32>
    %sub3A_1055 = arith.subf %sub3A_1054, %div3A_1048 : vector<16xf32>
    %jit3A_1056 = arith.constant 0.000000e+00 : f32
    %broadcast_in_dim3A_1057 = vector.broadcast %jit3A_1056 : f32 to vector<16xf32>
    %select_n3A_1058 = arith.select %eq3A_1052, %sub3A_1055, %broadcast_in_dim3A_1057 : vector<16xi1>, vector<16xf32>
    %select_n3A_1059 = arith.select %eq3A_1050, %div3A_1048, %select_n3A_1058 : vector<16xi1>, vector<16xf32>
    %swap3A_1060 = arith.constant 15 : i32
    %swap3A_1061 = arith.index_cast %swap3A_1060 : i32 to index
    %swap3A_1062 = arith.constant 0 : index
    %swap3A_1063 = tpu.vector_load %arg5[%swap3A_1061, %swap3A_1062] {strides = array<i32>} : memref<16x16xf32, #tpu.memory_space<vmem>>, vector<16xf32>,
    tpu.vector_store %arg5[%swap3A_1061, %swap3A_1062], %select_n3A_1059 {strides = array<i32>} : memref<16x16xf32, #tpu.memory_space<vmem>>, vector<16xf32>,
    "tpu.region"() ({
      %run_scoped3A = tpu.sem_alloc : memref<!tpu.dma_semaphore, #tpu.memory_space<semaphore_mem>>
      %dma_start3A = arith.constant 0 : i32
      %dma_start3A_1064 = tpu.memref_slice %arg3[%mul3A_2, %dma_start3A] : memref<512x16xf32, #tpu.memory_space<hbm>> -> memref<16x16xf32, #tpu.memory_space<hbm>>
      %dma_start3A_1065 = arith.constant 0 : i32
      %dma_start3A_1066 = tpu.memref_slice %arg3[%mul3A_2, %dma_start3A_1065] : memref<512x16xf32, #tpu.memory_space<hbm>> -> memref<16x16xf32, #tpu.memory_space<hbm>>
      tpu.enqueue_dma source(%arg5 : memref<16x16xf32, #tpu.memory_space<vmem>>) target(%dma_start3A_1066 : memref<16x16xf32, #tpu.memory_space<hbm>>) target_semaphore(%run_scoped3A : memref<!tpu.dma_semaphore, #tpu.memory_space<semaphore_mem>>)
      %dma_wait3A = arith.constant 0 : i32
      %dma_wait3A_1067 = tpu.memref_slice %arg3[%mul3A_2, %dma_wait3A] : memref<512x16xf32, #tpu.memory_space<hbm>> -> memref<16x16xf32, #tpu.memory_space<hbm>>
      %dma_wait3A_1068 = arith.constant 0 : i32
      %dma_wait3A_1069 = tpu.memref_slice %arg3[%mul3A_2, %dma_wait3A_1068] : memref<512x16xf32, #tpu.memory_space<hbm>> -> memref<16x16xf32, #tpu.memory_space<hbm>>
      tpu.wait_dma2 semaphore(%run_scoped3A : memref<!tpu.dma_semaphore, #tpu.memory_space<semaphore_mem>>) src(%arg5 : memref<16x16xf32, #tpu.memory_space<vmem>>) dst(%dma_wait3A_1069 : memref<16x16xf32, #tpu.memory_space<hbm>>)
      tpu.yield
    }) : () -> ()
    return
  }
}

module attributes {stable_mosaic.version = 14 : i64} {
  func.func @_logits_kernel(%arg0: memref<256x768xf32, #tpu.memory_space<vmem>>, %arg1: memref<768x32xf32, #tpu.memory_space<vmem>>, %arg2: memref<256x32xf32, #tpu.memory_space<vmem>>) attributes {dimension_semantics = [], scalar_prefetch = 0 : i64, scratch_operands = 0 : i64, tpu.core_type = #tpu.core_type<tc>} {
    %get3A = arith.constant 0 : index
    %get3A_0 = arith.constant 0 : index
    %get3A_1 = vector.load %arg0[%get3A, %get3A_0] : memref<256x768xf32, #tpu.memory_space<vmem>>, vector<256x768xf32>
    %get3A_2 = arith.constant 0 : index
    %get3A_3 = arith.constant 0 : index
    %get3A_4 = vector.load %arg1[%get3A_2, %get3A_3] : memref<768x32xf32, #tpu.memory_space<vmem>>, vector<768x32xf32>
    %dot_general3A = arith.constant dense<0.000000e+00> : vector<256x32xf32>
    %dot_general3A_5 = tpu.matmul %get3A_1, %get3A_4, %dot_general3A {dimension_numbers = #tpu.dot_dimension_numbers<[1], [0], [0], [1], [0, 0, 1, 1], [], []>, transpose_lhs_hint = false} : vector<256x768xf32>, vector<768x32xf32>, vector<256x32xf32> -> vector<256x32xf32>
    %swap3A = arith.constant 0 : index
    %swap3A_6 = arith.constant 0 : index
    %swap3A_7 = vector.load %arg2[%swap3A, %swap3A_6] : memref<256x32xf32, #tpu.memory_space<vmem>>, vector<256x32xf32>
    tpu.vector_store %arg2[%swap3A, %swap3A_6], %dot_general3A_5 {strides = array<i32>} : memref<256x32xf32, #tpu.memory_space<vmem>>, vector<256x32xf32>,
    return
  }
}

module attributes {stable_mosaic.version = 14 : i64} {
  func.func @_moe_kernel(%arg0: memref<256x768xf32, #tpu.memory_space<vmem>>, %arg1: memref<256x16xf32, #tpu.memory_space<vmem>>, %arg2: memref<256x16xf32, #tpu.memory_space<vmem>>, %arg3: memref<16x768x256xf32, #tpu.memory_space<any>>, %arg4: memref<16x256xf32, #tpu.memory_space<vmem>>, %arg5: memref<256x256xf32, #tpu.memory_space<vmem>>, %arg6: memref<16x768x256xf32, #tpu.memory_space<vmem>>, %arg7: memref<4x!tpu.dma_semaphore, #tpu.memory_space<semaphore_mem>>) attributes {dimension_semantics = [], scalar_prefetch = 0 : i64, scratch_operands = 2 : i64, tpu.core_type = #tpu.core_type<tc>} {
    %dma_start3A = arith.constant 0 : i32
    %dma_start3A_0 = tpu.memref_slice %arg7[%dma_start3A] : memref<4x!tpu.dma_semaphore, #tpu.memory_space<semaphore_mem>> -> memref<1x!tpu.dma_semaphore, #tpu.memory_space<semaphore_mem>>
    %dma_start3A_1 = tpu.memref_squeeze %dma_start3A_0 : memref<1x!tpu.dma_semaphore, #tpu.memory_space<semaphore_mem>> -> memref<!tpu.dma_semaphore, #tpu.memory_space<semaphore_mem>>
    %dma_start3A_2 = arith.constant 0 : i32
    %dma_start3A_3 = arith.constant 0 : i32
    %dma_start3A_4 = arith.constant 0 : i32
    %dma_start3A_5 = tpu.memref_slice %arg6[%dma_start3A_2, %dma_start3A_3, %dma_start3A_4] : memref<16x768x256xf32, #tpu.memory_space<vmem>> -> memref<4x768x256xf32, #tpu.memory_space<vmem>>
    %dma_start3A_6 = arith.constant 0 : i32
    %dma_start3A_7 = arith.constant 0 : i32
    %dma_start3A_8 = arith.constant 0 : i32
    %dma_start3A_9 = tpu.memref_slice %arg3[%dma_start3A_6, %dma_start3A_7, %dma_start3A_8] : memref<16x768x256xf32, #tpu.memory_space<any>> -> memref<4x768x256xf32, #tpu.memory_space<any>>
    tpu.enqueue_dma source(%dma_start3A_9 : memref<4x768x256xf32, #tpu.memory_space<any>>) target(%dma_start3A_5 : memref<4x768x256xf32, #tpu.memory_space<vmem>>) target_semaphore(%dma_start3A_1 : memref<!tpu.dma_semaphore, #tpu.memory_space<semaphore_mem>>)
    %dma_start3A_10 = arith.constant 1 : i32
    %dma_start3A_11 = tpu.memref_slice %arg7[%dma_start3A_10] : memref<4x!tpu.dma_semaphore, #tpu.memory_space<semaphore_mem>> -> memref<1x!tpu.dma_semaphore, #tpu.memory_space<semaphore_mem>>
    %dma_start3A_12 = tpu.memref_squeeze %dma_start3A_11 : memref<1x!tpu.dma_semaphore, #tpu.memory_space<semaphore_mem>> -> memref<!tpu.dma_semaphore, #tpu.memory_space<semaphore_mem>>
    %dma_start3A_13 = arith.constant 4 : i32
    %dma_start3A_14 = arith.constant 0 : i32
    %dma_start3A_15 = arith.constant 0 : i32
    %dma_start3A_16 = tpu.memref_slice %arg6[%dma_start3A_13, %dma_start3A_14, %dma_start3A_15] : memref<16x768x256xf32, #tpu.memory_space<vmem>> -> memref<4x768x256xf32, #tpu.memory_space<vmem>>
    %dma_start3A_17 = arith.constant 4 : i32
    %dma_start3A_18 = arith.constant 0 : i32
    %dma_start3A_19 = arith.constant 0 : i32
    %dma_start3A_20 = tpu.memref_slice %arg3[%dma_start3A_17, %dma_start3A_18, %dma_start3A_19] : memref<16x768x256xf32, #tpu.memory_space<any>> -> memref<4x768x256xf32, #tpu.memory_space<any>>
    tpu.enqueue_dma source(%dma_start3A_20 : memref<4x768x256xf32, #tpu.memory_space<any>>) target(%dma_start3A_16 : memref<4x768x256xf32, #tpu.memory_space<vmem>>) target_semaphore(%dma_start3A_12 : memref<!tpu.dma_semaphore, #tpu.memory_space<semaphore_mem>>)
    %dma_start3A_21 = arith.constant 2 : i32
    %dma_start3A_22 = tpu.memref_slice %arg7[%dma_start3A_21] : memref<4x!tpu.dma_semaphore, #tpu.memory_space<semaphore_mem>> -> memref<1x!tpu.dma_semaphore, #tpu.memory_space<semaphore_mem>>
    %dma_start3A_23 = tpu.memref_squeeze %dma_start3A_22 : memref<1x!tpu.dma_semaphore, #tpu.memory_space<semaphore_mem>> -> memref<!tpu.dma_semaphore, #tpu.memory_space<semaphore_mem>>
    %dma_start3A_24 = arith.constant 8 : i32
    %dma_start3A_25 = arith.constant 0 : i32
    %dma_start3A_26 = arith.constant 0 : i32
    %dma_start3A_27 = tpu.memref_slice %arg6[%dma_start3A_24, %dma_start3A_25, %dma_start3A_26] : memref<16x768x256xf32, #tpu.memory_space<vmem>> -> memref<4x768x256xf32, #tpu.memory_space<vmem>>
    %dma_start3A_28 = arith.constant 8 : i32
    %dma_start3A_29 = arith.constant 0 : i32
    %dma_start3A_30 = arith.constant 0 : i32
    %dma_start3A_31 = tpu.memref_slice %arg3[%dma_start3A_28, %dma_start3A_29, %dma_start3A_30] : memref<16x768x256xf32, #tpu.memory_space<any>> -> memref<4x768x256xf32, #tpu.memory_space<any>>
    tpu.enqueue_dma source(%dma_start3A_31 : memref<4x768x256xf32, #tpu.memory_space<any>>) target(%dma_start3A_27 : memref<4x768x256xf32, #tpu.memory_space<vmem>>) target_semaphore(%dma_start3A_23 : memref<!tpu.dma_semaphore, #tpu.memory_space<semaphore_mem>>)
    %dma_start3A_32 = arith.constant 3 : i32
    %dma_start3A_33 = tpu.memref_slice %arg7[%dma_start3A_32] : memref<4x!tpu.dma_semaphore, #tpu.memory_space<semaphore_mem>> -> memref<1x!tpu.dma_semaphore, #tpu.memory_space<semaphore_mem>>
    %dma_start3A_34 = tpu.memref_squeeze %dma_start3A_33 : memref<1x!tpu.dma_semaphore, #tpu.memory_space<semaphore_mem>> -> memref<!tpu.dma_semaphore, #tpu.memory_space<semaphore_mem>>
    %dma_start3A_35 = arith.constant 12 : i32
    %dma_start3A_36 = arith.constant 0 : i32
    %dma_start3A_37 = arith.constant 0 : i32
    %dma_start3A_38 = tpu.memref_slice %arg6[%dma_start3A_35, %dma_start3A_36, %dma_start3A_37] : memref<16x768x256xf32, #tpu.memory_space<vmem>> -> memref<4x768x256xf32, #tpu.memory_space<vmem>>
    %dma_start3A_39 = arith.constant 12 : i32
    %dma_start3A_40 = arith.constant 0 : i32
    %dma_start3A_41 = arith.constant 0 : i32
    %dma_start3A_42 = tpu.memref_slice %arg3[%dma_start3A_39, %dma_start3A_40, %dma_start3A_41] : memref<16x768x256xf32, #tpu.memory_space<any>> -> memref<4x768x256xf32, #tpu.memory_space<any>>
    tpu.enqueue_dma source(%dma_start3A_42 : memref<4x768x256xf32, #tpu.memory_space<any>>) target(%dma_start3A_38 : memref<4x768x256xf32, #tpu.memory_space<vmem>>) target_semaphore(%dma_start3A_34 : memref<!tpu.dma_semaphore, #tpu.memory_space<semaphore_mem>>)
    %get3A = arith.constant 0 : index
    %get3A_43 = arith.constant 0 : index
    %get3A_44 = vector.load %arg0[%get3A, %get3A_43] : memref<256x768xf32, #tpu.memory_space<vmem>>, vector<256x768xf32>
    %get3A_45 = arith.constant 0 : index
    %get3A_46 = arith.constant 0 : index
    %get3A_47 = vector.load %arg1[%get3A_45, %get3A_46] : memref<256x16xf32, #tpu.memory_space<vmem>>, vector<256x16xf32>
    %get3A_48 = arith.constant 0 : index
    %get3A_49 = arith.constant 0 : index
    %get3A_50 = vector.load %arg2[%get3A_48, %get3A_49] : memref<256x16xf32, #tpu.memory_space<vmem>>, vector<256x16xf32>
    %get3A_51 = arith.constant 0 : index
    %get3A_52 = arith.constant 0 : index
    %get3A_53 = vector.load %arg4[%get3A_51, %get3A_52] : memref<16x256xf32, #tpu.memory_space<vmem>>, vector<16x256xf32>
    %dot_general3A = arith.constant dense<0.000000e+00> : vector<256x256xf32>
    %dot_general3A_54 = tpu.matmul %get3A_50, %get3A_53, %dot_general3A {dimension_numbers = #tpu.dot_dimension_numbers<[1], [0], [0], [1], [0, 0, 1, 1], [], []>, transpose_lhs_hint = false} : vector<256x16xf32>, vector<16x256xf32>, vector<256x256xf32> -> vector<256x256xf32>
    %dma_wait3A = arith.constant 0 : i32
    %dma_wait3A_55 = tpu.memref_slice %arg7[%dma_wait3A] : memref<4x!tpu.dma_semaphore, #tpu.memory_space<semaphore_mem>> -> memref<1x!tpu.dma_semaphore, #tpu.memory_space<semaphore_mem>>
    %dma_wait3A_56 = tpu.memref_squeeze %dma_wait3A_55 : memref<1x!tpu.dma_semaphore, #tpu.memory_space<semaphore_mem>> -> memref<!tpu.dma_semaphore, #tpu.memory_space<semaphore_mem>>
    %dma_wait3A_57 = arith.constant 0 : i32
    %dma_wait3A_58 = arith.constant 0 : i32
    %dma_wait3A_59 = arith.constant 0 : i32
    %dma_wait3A_60 = tpu.memref_slice %arg6[%dma_wait3A_57, %dma_wait3A_58, %dma_wait3A_59] : memref<16x768x256xf32, #tpu.memory_space<vmem>> -> memref<4x768x256xf32, #tpu.memory_space<vmem>>
    %dma_wait3A_61 = arith.constant 0 : i32
    %dma_wait3A_62 = arith.constant 0 : i32
    %dma_wait3A_63 = arith.constant 0 : i32
    %dma_wait3A_64 = tpu.memref_slice %arg3[%dma_wait3A_61, %dma_wait3A_62, %dma_wait3A_63] : memref<16x768x256xf32, #tpu.memory_space<any>> -> memref<4x768x256xf32, #tpu.memory_space<any>>
    tpu.wait_dma2 semaphore(%dma_wait3A_56 : memref<!tpu.dma_semaphore, #tpu.memory_space<semaphore_mem>>) src(%dma_wait3A_64 : memref<4x768x256xf32, #tpu.memory_space<any>>) dst(%dma_wait3A_60 : memref<4x768x256xf32, #tpu.memory_space<vmem>>)
    %get3A_65 = arith.constant 0 : index
    %get3A_66 = arith.constant 0 : index
    %get3A_67 = arith.constant 0 : index
    %get3A_68 = vector.load %arg6[%get3A_65, %get3A_66, %get3A_67] : memref<16x768x256xf32, #tpu.memory_space<vmem>>, vector<1x768x256xf32>
    %get3A_69 = vector.shape_cast %get3A_68 : vector<1x768x256xf32> to vector<768x256xf32>
    %dot_general3A_70 = arith.constant dense<0.000000e+00> : vector<256x256xf32>
    %dot_general3A_71 = tpu.matmul %get3A_44, %get3A_69, %dot_general3A_70 {dimension_numbers = #tpu.dot_dimension_numbers<[1], [0], [0], [1], [0, 0, 1, 1], [], []>, transpose_lhs_hint = false} : vector<256x768xf32>, vector<768x256xf32>, vector<256x256xf32> -> vector<256x256xf32>
    %slice3A = vector.extract_strided_slice %get3A_47 {offsets = [0, 0], sizes = [256, 1], strides = [1, 1]} : vector<256x16xf32> to vector<256x1xf32>
    %squeeze3A = vector.shape_cast %slice3A : vector<256x1xf32> to vector<256xf32>
    %broadcast_in_dim3A = vector.shape_cast %squeeze3A : vector<256xf32> to vector<256x1xf32>
    %mul3A = vector.broadcast %broadcast_in_dim3A : vector<256x1xf32> to vector<256x256xf32>
    %mul3A_72 = arith.mulf %mul3A, %dot_general3A_71 : vector<256x256xf32>
    %add3A = arith.addf %dot_general3A_54, %mul3A_72 : vector<256x256xf32>
    %get3A_73 = arith.constant 1 : index
    %get3A_74 = arith.constant 0 : index
    %get3A_75 = arith.constant 0 : index
    %get3A_76 = vector.load %arg6[%get3A_73, %get3A_74, %get3A_75] : memref<16x768x256xf32, #tpu.memory_space<vmem>>, vector<1x768x256xf32>
    %get3A_77 = vector.shape_cast %get3A_76 : vector<1x768x256xf32> to vector<768x256xf32>
    %dot_general3A_78 = arith.constant dense<0.000000e+00> : vector<256x256xf32>
    %dot_general3A_79 = tpu.matmul %get3A_44, %get3A_77, %dot_general3A_78 {dimension_numbers = #tpu.dot_dimension_numbers<[1], [0], [0], [1], [0, 0, 1, 1], [], []>, transpose_lhs_hint = false} : vector<256x768xf32>, vector<768x256xf32>, vector<256x256xf32> -> vector<256x256xf32>
    %slice3A_80 = vector.extract_strided_slice %get3A_47 {offsets = [0, 1], sizes = [256, 1], strides = [1, 1]} : vector<256x16xf32> to vector<256x1xf32>
    %squeeze3A_81 = vector.shape_cast %slice3A_80 : vector<256x1xf32> to vector<256xf32>
    %broadcast_in_dim3A_82 = vector.shape_cast %squeeze3A_81 : vector<256xf32> to vector<256x1xf32>
    %mul3A_83 = vector.broadcast %broadcast_in_dim3A_82 : vector<256x1xf32> to vector<256x256xf32>
    %mul3A_84 = arith.mulf %mul3A_83, %dot_general3A_79 : vector<256x256xf32>
    %add3A_85 = arith.addf %add3A, %mul3A_84 : vector<256x256xf32>
    %get3A_86 = arith.constant 2 : index
    %get3A_87 = arith.constant 0 : index
    %get3A_88 = arith.constant 0 : index
    %get3A_89 = vector.load %arg6[%get3A_86, %get3A_87, %get3A_88] : memref<16x768x256xf32, #tpu.memory_space<vmem>>, vector<1x768x256xf32>
    %get3A_90 = vector.shape_cast %get3A_89 : vector<1x768x256xf32> to vector<768x256xf32>
    %dot_general3A_91 = arith.constant dense<0.000000e+00> : vector<256x256xf32>
    %dot_general3A_92 = tpu.matmul %get3A_44, %get3A_90, %dot_general3A_91 {dimension_numbers = #tpu.dot_dimension_numbers<[1], [0], [0], [1], [0, 0, 1, 1], [], []>, transpose_lhs_hint = false} : vector<256x768xf32>, vector<768x256xf32>, vector<256x256xf32> -> vector<256x256xf32>
    %slice3A_93 = vector.extract_strided_slice %get3A_47 {offsets = [0, 2], sizes = [256, 1], strides = [1, 1]} : vector<256x16xf32> to vector<256x1xf32>
    %squeeze3A_94 = vector.shape_cast %slice3A_93 : vector<256x1xf32> to vector<256xf32>
    %broadcast_in_dim3A_95 = vector.shape_cast %squeeze3A_94 : vector<256xf32> to vector<256x1xf32>
    %mul3A_96 = vector.broadcast %broadcast_in_dim3A_95 : vector<256x1xf32> to vector<256x256xf32>
    %mul3A_97 = arith.mulf %mul3A_96, %dot_general3A_92 : vector<256x256xf32>
    %add3A_98 = arith.addf %add3A_85, %mul3A_97 : vector<256x256xf32>
    %get3A_99 = arith.constant 3 : index
    %get3A_100 = arith.constant 0 : index
    %get3A_101 = arith.constant 0 : index
    %get3A_102 = vector.load %arg6[%get3A_99, %get3A_100, %get3A_101] : memref<16x768x256xf32, #tpu.memory_space<vmem>>, vector<1x768x256xf32>
    %get3A_103 = vector.shape_cast %get3A_102 : vector<1x768x256xf32> to vector<768x256xf32>
    %dot_general3A_104 = arith.constant dense<0.000000e+00> : vector<256x256xf32>
    %dot_general3A_105 = tpu.matmul %get3A_44, %get3A_103, %dot_general3A_104 {dimension_numbers = #tpu.dot_dimension_numbers<[1], [0], [0], [1], [0, 0, 1, 1], [], []>, transpose_lhs_hint = false} : vector<256x768xf32>, vector<768x256xf32>, vector<256x256xf32> -> vector<256x256xf32>
    %slice3A_106 = vector.extract_strided_slice %get3A_47 {offsets = [0, 3], sizes = [256, 1], strides = [1, 1]} : vector<256x16xf32> to vector<256x1xf32>
    %squeeze3A_107 = vector.shape_cast %slice3A_106 : vector<256x1xf32> to vector<256xf32>
    %broadcast_in_dim3A_108 = vector.shape_cast %squeeze3A_107 : vector<256xf32> to vector<256x1xf32>
    %mul3A_109 = vector.broadcast %broadcast_in_dim3A_108 : vector<256x1xf32> to vector<256x256xf32>
    %mul3A_110 = arith.mulf %mul3A_109, %dot_general3A_105 : vector<256x256xf32>
    %add3A_111 = arith.addf %add3A_98, %mul3A_110 : vector<256x256xf32>
    %dma_wait3A_112 = arith.constant 1 : i32
    %dma_wait3A_113 = tpu.memref_slice %arg7[%dma_wait3A_112] : memref<4x!tpu.dma_semaphore, #tpu.memory_space<semaphore_mem>> -> memref<1x!tpu.dma_semaphore, #tpu.memory_space<semaphore_mem>>
    %dma_wait3A_114 = tpu.memref_squeeze %dma_wait3A_113 : memref<1x!tpu.dma_semaphore, #tpu.memory_space<semaphore_mem>> -> memref<!tpu.dma_semaphore, #tpu.memory_space<semaphore_mem>>
    %dma_wait3A_115 = arith.constant 4 : i32
    %dma_wait3A_116 = arith.constant 0 : i32
    %dma_wait3A_117 = arith.constant 0 : i32
    %dma_wait3A_118 = tpu.memref_slice %arg6[%dma_wait3A_115, %dma_wait3A_116, %dma_wait3A_117] : memref<16x768x256xf32, #tpu.memory_space<vmem>> -> memref<4x768x256xf32, #tpu.memory_space<vmem>>
    %dma_wait3A_119 = arith.constant 4 : i32
    %dma_wait3A_120 = arith.constant 0 : i32
    %dma_wait3A_121 = arith.constant 0 : i32
    %dma_wait3A_122 = tpu.memref_slice %arg3[%dma_wait3A_119, %dma_wait3A_120, %dma_wait3A_121] : memref<16x768x256xf32, #tpu.memory_space<any>> -> memref<4x768x256xf32, #tpu.memory_space<any>>
    tpu.wait_dma2 semaphore(%dma_wait3A_114 : memref<!tpu.dma_semaphore, #tpu.memory_space<semaphore_mem>>) src(%dma_wait3A_122 : memref<4x768x256xf32, #tpu.memory_space<any>>) dst(%dma_wait3A_118 : memref<4x768x256xf32, #tpu.memory_space<vmem>>)
    %get3A_123 = arith.constant 4 : index
    %get3A_124 = arith.constant 0 : index
    %get3A_125 = arith.constant 0 : index
    %get3A_126 = vector.load %arg6[%get3A_123, %get3A_124, %get3A_125] : memref<16x768x256xf32, #tpu.memory_space<vmem>>, vector<1x768x256xf32>
    %get3A_127 = vector.shape_cast %get3A_126 : vector<1x768x256xf32> to vector<768x256xf32>
    %dot_general3A_128 = arith.constant dense<0.000000e+00> : vector<256x256xf32>
    %dot_general3A_129 = tpu.matmul %get3A_44, %get3A_127, %dot_general3A_128 {dimension_numbers = #tpu.dot_dimension_numbers<[1], [0], [0], [1], [0, 0, 1, 1], [], []>, transpose_lhs_hint = false} : vector<256x768xf32>, vector<768x256xf32>, vector<256x256xf32> -> vector<256x256xf32>
    %slice3A_130 = vector.extract_strided_slice %get3A_47 {offsets = [0, 4], sizes = [256, 1], strides = [1, 1]} : vector<256x16xf32> to vector<256x1xf32>
    %squeeze3A_131 = vector.shape_cast %slice3A_130 : vector<256x1xf32> to vector<256xf32>
    %broadcast_in_dim3A_132 = vector.shape_cast %squeeze3A_131 : vector<256xf32> to vector<256x1xf32>
    %mul3A_133 = vector.broadcast %broadcast_in_dim3A_132 : vector<256x1xf32> to vector<256x256xf32>
    %mul3A_134 = arith.mulf %mul3A_133, %dot_general3A_129 : vector<256x256xf32>
    %add3A_135 = arith.addf %add3A_111, %mul3A_134 : vector<256x256xf32>
    %get3A_136 = arith.constant 5 : index
    %get3A_137 = arith.constant 0 : index
    %get3A_138 = arith.constant 0 : index
    %get3A_139 = vector.load %arg6[%get3A_136, %get3A_137, %get3A_138] : memref<16x768x256xf32, #tpu.memory_space<vmem>>, vector<1x768x256xf32>
    %get3A_140 = vector.shape_cast %get3A_139 : vector<1x768x256xf32> to vector<768x256xf32>
    %dot_general3A_141 = arith.constant dense<0.000000e+00> : vector<256x256xf32>
    %dot_general3A_142 = tpu.matmul %get3A_44, %get3A_140, %dot_general3A_141 {dimension_numbers = #tpu.dot_dimension_numbers<[1], [0], [0], [1], [0, 0, 1, 1], [], []>, transpose_lhs_hint = false} : vector<256x768xf32>, vector<768x256xf32>, vector<256x256xf32> -> vector<256x256xf32>
    %slice3A_143 = vector.extract_strided_slice %get3A_47 {offsets = [0, 5], sizes = [256, 1], strides = [1, 1]} : vector<256x16xf32> to vector<256x1xf32>
    %squeeze3A_144 = vector.shape_cast %slice3A_143 : vector<256x1xf32> to vector<256xf32>
    %broadcast_in_dim3A_145 = vector.shape_cast %squeeze3A_144 : vector<256xf32> to vector<256x1xf32>
    %mul3A_146 = vector.broadcast %broadcast_in_dim3A_145 : vector<256x1xf32> to vector<256x256xf32>
    %mul3A_147 = arith.mulf %mul3A_146, %dot_general3A_142 : vector<256x256xf32>
    %add3A_148 = arith.addf %add3A_135, %mul3A_147 : vector<256x256xf32>
    %get3A_149 = arith.constant 6 : index
    %get3A_150 = arith.constant 0 : index
    %get3A_151 = arith.constant 0 : index
    %get3A_152 = vector.load %arg6[%get3A_149, %get3A_150, %get3A_151] : memref<16x768x256xf32, #tpu.memory_space<vmem>>, vector<1x768x256xf32>
    %get3A_153 = vector.shape_cast %get3A_152 : vector<1x768x256xf32> to vector<768x256xf32>
    %dot_general3A_154 = arith.constant dense<0.000000e+00> : vector<256x256xf32>
    %dot_general3A_155 = tpu.matmul %get3A_44, %get3A_153, %dot_general3A_154 {dimension_numbers = #tpu.dot_dimension_numbers<[1], [0], [0], [1], [0, 0, 1, 1], [], []>, transpose_lhs_hint = false} : vector<256x768xf32>, vector<768x256xf32>, vector<256x256xf32> -> vector<256x256xf32>
    %slice3A_156 = vector.extract_strided_slice %get3A_47 {offsets = [0, 6], sizes = [256, 1], strides = [1, 1]} : vector<256x16xf32> to vector<256x1xf32>
    %squeeze3A_157 = vector.shape_cast %slice3A_156 : vector<256x1xf32> to vector<256xf32>
    %broadcast_in_dim3A_158 = vector.shape_cast %squeeze3A_157 : vector<256xf32> to vector<256x1xf32>
    %mul3A_159 = vector.broadcast %broadcast_in_dim3A_158 : vector<256x1xf32> to vector<256x256xf32>
    %mul3A_160 = arith.mulf %mul3A_159, %dot_general3A_155 : vector<256x256xf32>
    %add3A_161 = arith.addf %add3A_148, %mul3A_160 : vector<256x256xf32>
    %get3A_162 = arith.constant 7 : index
    %get3A_163 = arith.constant 0 : index
    %get3A_164 = arith.constant 0 : index
    %get3A_165 = vector.load %arg6[%get3A_162, %get3A_163, %get3A_164] : memref<16x768x256xf32, #tpu.memory_space<vmem>>, vector<1x768x256xf32>
    %get3A_166 = vector.shape_cast %get3A_165 : vector<1x768x256xf32> to vector<768x256xf32>
    %dot_general3A_167 = arith.constant dense<0.000000e+00> : vector<256x256xf32>
    %dot_general3A_168 = tpu.matmul %get3A_44, %get3A_166, %dot_general3A_167 {dimension_numbers = #tpu.dot_dimension_numbers<[1], [0], [0], [1], [0, 0, 1, 1], [], []>, transpose_lhs_hint = false} : vector<256x768xf32>, vector<768x256xf32>, vector<256x256xf32> -> vector<256x256xf32>
    %slice3A_169 = vector.extract_strided_slice %get3A_47 {offsets = [0, 7], sizes = [256, 1], strides = [1, 1]} : vector<256x16xf32> to vector<256x1xf32>
    %squeeze3A_170 = vector.shape_cast %slice3A_169 : vector<256x1xf32> to vector<256xf32>
    %broadcast_in_dim3A_171 = vector.shape_cast %squeeze3A_170 : vector<256xf32> to vector<256x1xf32>
    %mul3A_172 = vector.broadcast %broadcast_in_dim3A_171 : vector<256x1xf32> to vector<256x256xf32>
    %mul3A_173 = arith.mulf %mul3A_172, %dot_general3A_168 : vector<256x256xf32>
    %add3A_174 = arith.addf %add3A_161, %mul3A_173 : vector<256x256xf32>
    %dma_wait3A_175 = arith.constant 2 : i32
    %dma_wait3A_176 = tpu.memref_slice %arg7[%dma_wait3A_175] : memref<4x!tpu.dma_semaphore, #tpu.memory_space<semaphore_mem>> -> memref<1x!tpu.dma_semaphore, #tpu.memory_space<semaphore_mem>>
    %dma_wait3A_177 = tpu.memref_squeeze %dma_wait3A_176 : memref<1x!tpu.dma_semaphore, #tpu.memory_space<semaphore_mem>> -> memref<!tpu.dma_semaphore, #tpu.memory_space<semaphore_mem>>
    %dma_wait3A_178 = arith.constant 8 : i32
    %dma_wait3A_179 = arith.constant 0 : i32
    %dma_wait3A_180 = arith.constant 0 : i32
    %dma_wait3A_181 = tpu.memref_slice %arg6[%dma_wait3A_178, %dma_wait3A_179, %dma_wait3A_180] : memref<16x768x256xf32, #tpu.memory_space<vmem>> -> memref<4x768x256xf32, #tpu.memory_space<vmem>>
    %dma_wait3A_182 = arith.constant 8 : i32
    %dma_wait3A_183 = arith.constant 0 : i32
    %dma_wait3A_184 = arith.constant 0 : i32
    %dma_wait3A_185 = tpu.memref_slice %arg3[%dma_wait3A_182, %dma_wait3A_183, %dma_wait3A_184] : memref<16x768x256xf32, #tpu.memory_space<any>> -> memref<4x768x256xf32, #tpu.memory_space<any>>
    tpu.wait_dma2 semaphore(%dma_wait3A_177 : memref<!tpu.dma_semaphore, #tpu.memory_space<semaphore_mem>>) src(%dma_wait3A_185 : memref<4x768x256xf32, #tpu.memory_space<any>>) dst(%dma_wait3A_181 : memref<4x768x256xf32, #tpu.memory_space<vmem>>)
    %get3A_186 = arith.constant 8 : index
    %get3A_187 = arith.constant 0 : index
    %get3A_188 = arith.constant 0 : index
    %get3A_189 = vector.load %arg6[%get3A_186, %get3A_187, %get3A_188] : memref<16x768x256xf32, #tpu.memory_space<vmem>>, vector<1x768x256xf32>
    %get3A_190 = vector.shape_cast %get3A_189 : vector<1x768x256xf32> to vector<768x256xf32>
    %dot_general3A_191 = arith.constant dense<0.000000e+00> : vector<256x256xf32>
    %dot_general3A_192 = tpu.matmul %get3A_44, %get3A_190, %dot_general3A_191 {dimension_numbers = #tpu.dot_dimension_numbers<[1], [0], [0], [1], [0, 0, 1, 1], [], []>, transpose_lhs_hint = false} : vector<256x768xf32>, vector<768x256xf32>, vector<256x256xf32> -> vector<256x256xf32>
    %slice3A_193 = vector.extract_strided_slice %get3A_47 {offsets = [0, 8], sizes = [256, 1], strides = [1, 1]} : vector<256x16xf32> to vector<256x1xf32>
    %squeeze3A_194 = vector.shape_cast %slice3A_193 : vector<256x1xf32> to vector<256xf32>
    %broadcast_in_dim3A_195 = vector.shape_cast %squeeze3A_194 : vector<256xf32> to vector<256x1xf32>
    %mul3A_196 = vector.broadcast %broadcast_in_dim3A_195 : vector<256x1xf32> to vector<256x256xf32>
    %mul3A_197 = arith.mulf %mul3A_196, %dot_general3A_192 : vector<256x256xf32>
    %add3A_198 = arith.addf %add3A_174, %mul3A_197 : vector<256x256xf32>
    %get3A_199 = arith.constant 9 : index
    %get3A_200 = arith.constant 0 : index
    %get3A_201 = arith.constant 0 : index
    %get3A_202 = vector.load %arg6[%get3A_199, %get3A_200, %get3A_201] : memref<16x768x256xf32, #tpu.memory_space<vmem>>, vector<1x768x256xf32>
    %get3A_203 = vector.shape_cast %get3A_202 : vector<1x768x256xf32> to vector<768x256xf32>
    %dot_general3A_204 = arith.constant dense<0.000000e+00> : vector<256x256xf32>
    %dot_general3A_205 = tpu.matmul %get3A_44, %get3A_203, %dot_general3A_204 {dimension_numbers = #tpu.dot_dimension_numbers<[1], [0], [0], [1], [0, 0, 1, 1], [], []>, transpose_lhs_hint = false} : vector<256x768xf32>, vector<768x256xf32>, vector<256x256xf32> -> vector<256x256xf32>
    %slice3A_206 = vector.extract_strided_slice %get3A_47 {offsets = [0, 9], sizes = [256, 1], strides = [1, 1]} : vector<256x16xf32> to vector<256x1xf32>
    %squeeze3A_207 = vector.shape_cast %slice3A_206 : vector<256x1xf32> to vector<256xf32>
    %broadcast_in_dim3A_208 = vector.shape_cast %squeeze3A_207 : vector<256xf32> to vector<256x1xf32>
    %mul3A_209 = vector.broadcast %broadcast_in_dim3A_208 : vector<256x1xf32> to vector<256x256xf32>
    %mul3A_210 = arith.mulf %mul3A_209, %dot_general3A_205 : vector<256x256xf32>
    %add3A_211 = arith.addf %add3A_198, %mul3A_210 : vector<256x256xf32>
    %get3A_212 = arith.constant 10 : index
    %get3A_213 = arith.constant 0 : index
    %get3A_214 = arith.constant 0 : index
    %get3A_215 = vector.load %arg6[%get3A_212, %get3A_213, %get3A_214] : memref<16x768x256xf32, #tpu.memory_space<vmem>>, vector<1x768x256xf32>
    %get3A_216 = vector.shape_cast %get3A_215 : vector<1x768x256xf32> to vector<768x256xf32>
    %dot_general3A_217 = arith.constant dense<0.000000e+00> : vector<256x256xf32>
    %dot_general3A_218 = tpu.matmul %get3A_44, %get3A_216, %dot_general3A_217 {dimension_numbers = #tpu.dot_dimension_numbers<[1], [0], [0], [1], [0, 0, 1, 1], [], []>, transpose_lhs_hint = false} : vector<256x768xf32>, vector<768x256xf32>, vector<256x256xf32> -> vector<256x256xf32>
    %slice3A_219 = vector.extract_strided_slice %get3A_47 {offsets = [0, 10], sizes = [256, 1], strides = [1, 1]} : vector<256x16xf32> to vector<256x1xf32>
    %squeeze3A_220 = vector.shape_cast %slice3A_219 : vector<256x1xf32> to vector<256xf32>
    %broadcast_in_dim3A_221 = vector.shape_cast %squeeze3A_220 : vector<256xf32> to vector<256x1xf32>
    %mul3A_222 = vector.broadcast %broadcast_in_dim3A_221 : vector<256x1xf32> to vector<256x256xf32>
    %mul3A_223 = arith.mulf %mul3A_222, %dot_general3A_218 : vector<256x256xf32>
    %add3A_224 = arith.addf %add3A_211, %mul3A_223 : vector<256x256xf32>
    %get3A_225 = arith.constant 11 : index
    %get3A_226 = arith.constant 0 : index
    %get3A_227 = arith.constant 0 : index
    %get3A_228 = vector.load %arg6[%get3A_225, %get3A_226, %get3A_227] : memref<16x768x256xf32, #tpu.memory_space<vmem>>, vector<1x768x256xf32>
    %get3A_229 = vector.shape_cast %get3A_228 : vector<1x768x256xf32> to vector<768x256xf32>
    %dot_general3A_230 = arith.constant dense<0.000000e+00> : vector<256x256xf32>
    %dot_general3A_231 = tpu.matmul %get3A_44, %get3A_229, %dot_general3A_230 {dimension_numbers = #tpu.dot_dimension_numbers<[1], [0], [0], [1], [0, 0, 1, 1], [], []>, transpose_lhs_hint = false} : vector<256x768xf32>, vector<768x256xf32>, vector<256x256xf32> -> vector<256x256xf32>
    %slice3A_232 = vector.extract_strided_slice %get3A_47 {offsets = [0, 11], sizes = [256, 1], strides = [1, 1]} : vector<256x16xf32> to vector<256x1xf32>
    %squeeze3A_233 = vector.shape_cast %slice3A_232 : vector<256x1xf32> to vector<256xf32>
    %broadcast_in_dim3A_234 = vector.shape_cast %squeeze3A_233 : vector<256xf32> to vector<256x1xf32>
    %mul3A_235 = vector.broadcast %broadcast_in_dim3A_234 : vector<256x1xf32> to vector<256x256xf32>
    %mul3A_236 = arith.mulf %mul3A_235, %dot_general3A_231 : vector<256x256xf32>
    %add3A_237 = arith.addf %add3A_224, %mul3A_236 : vector<256x256xf32>
    %dma_wait3A_238 = arith.constant 3 : i32
    %dma_wait3A_239 = tpu.memref_slice %arg7[%dma_wait3A_238] : memref<4x!tpu.dma_semaphore, #tpu.memory_space<semaphore_mem>> -> memref<1x!tpu.dma_semaphore, #tpu.memory_space<semaphore_mem>>
    %dma_wait3A_240 = tpu.memref_squeeze %dma_wait3A_239 : memref<1x!tpu.dma_semaphore, #tpu.memory_space<semaphore_mem>> -> memref<!tpu.dma_semaphore, #tpu.memory_space<semaphore_mem>>
    %dma_wait3A_241 = arith.constant 12 : i32
    %dma_wait3A_242 = arith.constant 0 : i32
    %dma_wait3A_243 = arith.constant 0 : i32
    %dma_wait3A_244 = tpu.memref_slice %arg6[%dma_wait3A_241, %dma_wait3A_242, %dma_wait3A_243] : memref<16x768x256xf32, #tpu.memory_space<vmem>> -> memref<4x768x256xf32, #tpu.memory_space<vmem>>
    %dma_wait3A_245 = arith.constant 12 : i32
    %dma_wait3A_246 = arith.constant 0 : i32
    %dma_wait3A_247 = arith.constant 0 : i32
    %dma_wait3A_248 = tpu.memref_slice %arg3[%dma_wait3A_245, %dma_wait3A_246, %dma_wait3A_247] : memref<16x768x256xf32, #tpu.memory_space<any>> -> memref<4x768x256xf32, #tpu.memory_space<any>>
    tpu.wait_dma2 semaphore(%dma_wait3A_240 : memref<!tpu.dma_semaphore, #tpu.memory_space<semaphore_mem>>) src(%dma_wait3A_248 : memref<4x768x256xf32, #tpu.memory_space<any>>) dst(%dma_wait3A_244 : memref<4x768x256xf32, #tpu.memory_space<vmem>>)
    %get3A_249 = arith.constant 12 : index
    %get3A_250 = arith.constant 0 : index
    %get3A_251 = arith.constant 0 : index
    %get3A_252 = vector.load %arg6[%get3A_249, %get3A_250, %get3A_251] : memref<16x768x256xf32, #tpu.memory_space<vmem>>, vector<1x768x256xf32>
    %get3A_253 = vector.shape_cast %get3A_252 : vector<1x768x256xf32> to vector<768x256xf32>
    %dot_general3A_254 = arith.constant dense<0.000000e+00> : vector<256x256xf32>
    %dot_general3A_255 = tpu.matmul %get3A_44, %get3A_253, %dot_general3A_254 {dimension_numbers = #tpu.dot_dimension_numbers<[1], [0], [0], [1], [0, 0, 1, 1], [], []>, transpose_lhs_hint = false} : vector<256x768xf32>, vector<768x256xf32>, vector<256x256xf32> -> vector<256x256xf32>
    %slice3A_256 = vector.extract_strided_slice %get3A_47 {offsets = [0, 12], sizes = [256, 1], strides = [1, 1]} : vector<256x16xf32> to vector<256x1xf32>
    %squeeze3A_257 = vector.shape_cast %slice3A_256 : vector<256x1xf32> to vector<256xf32>
    %broadcast_in_dim3A_258 = vector.shape_cast %squeeze3A_257 : vector<256xf32> to vector<256x1xf32>
    %mul3A_259 = vector.broadcast %broadcast_in_dim3A_258 : vector<256x1xf32> to vector<256x256xf32>
    %mul3A_260 = arith.mulf %mul3A_259, %dot_general3A_255 : vector<256x256xf32>
    %add3A_261 = arith.addf %add3A_237, %mul3A_260 : vector<256x256xf32>
    %get3A_262 = arith.constant 13 : index
    %get3A_263 = arith.constant 0 : index
    %get3A_264 = arith.constant 0 : index
    %get3A_265 = vector.load %arg6[%get3A_262, %get3A_263, %get3A_264] : memref<16x768x256xf32, #tpu.memory_space<vmem>>, vector<1x768x256xf32>
    %get3A_266 = vector.shape_cast %get3A_265 : vector<1x768x256xf32> to vector<768x256xf32>
    %dot_general3A_267 = arith.constant dense<0.000000e+00> : vector<256x256xf32>
    %dot_general3A_268 = tpu.matmul %get3A_44, %get3A_266, %dot_general3A_267 {dimension_numbers = #tpu.dot_dimension_numbers<[1], [0], [0], [1], [0, 0, 1, 1], [], []>, transpose_lhs_hint = false} : vector<256x768xf32>, vector<768x256xf32>, vector<256x256xf32> -> vector<256x256xf32>
    %slice3A_269 = vector.extract_strided_slice %get3A_47 {offsets = [0, 13], sizes = [256, 1], strides = [1, 1]} : vector<256x16xf32> to vector<256x1xf32>
    %squeeze3A_270 = vector.shape_cast %slice3A_269 : vector<256x1xf32> to vector<256xf32>
    %broadcast_in_dim3A_271 = vector.shape_cast %squeeze3A_270 : vector<256xf32> to vector<256x1xf32>
    %mul3A_272 = vector.broadcast %broadcast_in_dim3A_271 : vector<256x1xf32> to vector<256x256xf32>
    %mul3A_273 = arith.mulf %mul3A_272, %dot_general3A_268 : vector<256x256xf32>
    %add3A_274 = arith.addf %add3A_261, %mul3A_273 : vector<256x256xf32>
    %get3A_275 = arith.constant 14 : index
    %get3A_276 = arith.constant 0 : index
    %get3A_277 = arith.constant 0 : index
    %get3A_278 = vector.load %arg6[%get3A_275, %get3A_276, %get3A_277] : memref<16x768x256xf32, #tpu.memory_space<vmem>>, vector<1x768x256xf32>
    %get3A_279 = vector.shape_cast %get3A_278 : vector<1x768x256xf32> to vector<768x256xf32>
    %dot_general3A_280 = arith.constant dense<0.000000e+00> : vector<256x256xf32>
    %dot_general3A_281 = tpu.matmul %get3A_44, %get3A_279, %dot_general3A_280 {dimension_numbers = #tpu.dot_dimension_numbers<[1], [0], [0], [1], [0, 0, 1, 1], [], []>, transpose_lhs_hint = false} : vector<256x768xf32>, vector<768x256xf32>, vector<256x256xf32> -> vector<256x256xf32>
    %slice3A_282 = vector.extract_strided_slice %get3A_47 {offsets = [0, 14], sizes = [256, 1], strides = [1, 1]} : vector<256x16xf32> to vector<256x1xf32>
    %squeeze3A_283 = vector.shape_cast %slice3A_282 : vector<256x1xf32> to vector<256xf32>
    %broadcast_in_dim3A_284 = vector.shape_cast %squeeze3A_283 : vector<256xf32> to vector<256x1xf32>
    %mul3A_285 = vector.broadcast %broadcast_in_dim3A_284 : vector<256x1xf32> to vector<256x256xf32>
    %mul3A_286 = arith.mulf %mul3A_285, %dot_general3A_281 : vector<256x256xf32>
    %add3A_287 = arith.addf %add3A_274, %mul3A_286 : vector<256x256xf32>
    %get3A_288 = arith.constant 15 : index
    %get3A_289 = arith.constant 0 : index
    %get3A_290 = arith.constant 0 : index
    %get3A_291 = vector.load %arg6[%get3A_288, %get3A_289, %get3A_290] : memref<16x768x256xf32, #tpu.memory_space<vmem>>, vector<1x768x256xf32>
    %get3A_292 = vector.shape_cast %get3A_291 : vector<1x768x256xf32> to vector<768x256xf32>
    %dot_general3A_293 = arith.constant dense<0.000000e+00> : vector<256x256xf32>
    %dot_general3A_294 = tpu.matmul %get3A_44, %get3A_292, %dot_general3A_293 {dimension_numbers = #tpu.dot_dimension_numbers<[1], [0], [0], [1], [0, 0, 1, 1], [], []>, transpose_lhs_hint = false} : vector<256x768xf32>, vector<768x256xf32>, vector<256x256xf32> -> vector<256x256xf32>
    %slice3A_295 = vector.extract_strided_slice %get3A_47 {offsets = [0, 15], sizes = [256, 1], strides = [1, 1]} : vector<256x16xf32> to vector<256x1xf32>
    %squeeze3A_296 = vector.shape_cast %slice3A_295 : vector<256x1xf32> to vector<256xf32>
    %broadcast_in_dim3A_297 = vector.shape_cast %squeeze3A_296 : vector<256xf32> to vector<256x1xf32>
    %mul3A_298 = vector.broadcast %broadcast_in_dim3A_297 : vector<256x1xf32> to vector<256x256xf32>
    %mul3A_299 = arith.mulf %mul3A_298, %dot_general3A_294 : vector<256x256xf32>
    %add3A_300 = arith.addf %add3A_287, %mul3A_299 : vector<256x256xf32>
    %swap3A = arith.constant 0 : index
    %swap3A_301 = arith.constant 0 : index
    %swap3A_302 = vector.load %arg5[%swap3A, %swap3A_301] : memref<256x256xf32, #tpu.memory_space<vmem>>, vector<256x256xf32>
    tpu.vector_store %arg5[%swap3A, %swap3A_301], %add3A_300 {strides = array<i32>} : memref<256x256xf32, #tpu.memory_space<vmem>>, vector<256x256xf32>,
    return
  }
}

</mosaic_0001>

<sc_bundles>
// kernel: kernel.5.cloned.1.call-start
scs
__scs_entry_jumppad:
0x0: {  	(pc) =	sbr.rel $0x88, $3  }
0x1: {  	(tag) =	ssettag $0x0;
	lr =	simm.s32 $0x1  }
0x2: {  	[smem:$0x3F9C] =	sst lr;
	_ =	strace $0xD0000000  }
0x3: {  	_ = 	snop  }
0x4: {  	_ = 	snop  }
0x5: {  	_ = 	snop  }
0x6: {  	_ = 	snop  }
0x7: {  	_ = 	snop  }
__scs_overlays_trampoline_lowered:
0x8: {  	[smem:$0x3FAB] =	sst s0  }
0x9: {  	[smem:$0x3FAC] =	sst s1  }
0xa: {  	[smem:$0x3FAD] =	sst s2  }
0xb: {  	[smem:$0x3FAE] =	sst s3  }
0xc: {  	[smem:$0x3FAF] =	sst s4  }
0xd: {  	[smem:$0x3FB0] =	sst s5  }
0xe: {  	[smem:$0x3FB1] =	sst s6  }
0xf: {  	[smem:$0x3FB2] =	sst s7  }
0x10: {  	[smem:$0x3FB3] =	sst s8  }
0x11: {  	[smem:$0x3FB4] =	sst s9;
	s0 =	simm.s32 @!p0 $0x0  }
0x12: {  	s1 =	sld [smem:$0x3F9A];
	s0 =	simm.s32 @p0 $0x1  }
0x13: {  	[smem:$0x3FB5] =	sst s0;
	s0 =	simm.s32 @!p1 $0x0  }
0x14: {  	s2 =	sld [smem:$0x3F99];
	s0 =	simm.s32 @p1 $0x1  }
0x15: {  	[smem:$0x3FB6] =	sst s0;
	s0 =	simm.s32 @!p2 $0x0  }
0x16: {  	s3 =	sld [smem:$0x3FDB];
	s0 =	simm.s32 @p2 $0x1  }
0x17: {  	s4 =	simm.s32 $0x1BF5;
	[smem:$0x3FB8] =	sst s0  }
0x18: {  	s0 =	sld [smem:$0x3F9B];
	_ =	swait.ge [sflag:s4], $0x0  }
0x19: {  	s7 =	sld [smem:$0x3F9C]  }
0x1a: {  	s8 =	sadd.s32 $0xFFFFE003, lr  }
0x1b: {  	s9 =	sadd.s32 $0xFFFFFEF7, lr;
	s5 =	simm.s32 $0xFFFFFFFF;
	p2 =	slt.u32 s8, $0xFFFFF086  }
0x1c: {  	p1 =	slt.u32 s9, $0xF7A;
	s5 =	simm.s32 @!p2 $0x0  }
0x1d: {  	s5 =	simm.s32 @p1 $0x1;
	p0 =	seq.s32 s7, s2  }
0x1e: {  	s7 =	smul.u32 @!p0 $0xF7A, s2;
	p2 =	seq.s32 @!p0 s5, $0x0  }
0x1f: {  	s9 =	smul.u32 $0xF7A, s1;
	s8 =	simm.s32 @!p0 $0x1BF5;
	p2 =	por !p2, p0  }
0x20: {  	[sflag:s8] =	ssyncset.s32 @!p0 $0xFFFFF086;
	s6 =	sadd.s32 @!p0 s3, s7;
	s7 =	simm.s32 @!p0 $0x108  }
0x21: {  	s3 =	sadd.s32 s3, s9;
	s6 =	sadd.s32 @!p0 $0x88, s6;
	s7 =	simm.s32 @p2 $0x1082  }
0x22: {  	[simem:s7], [sflag:s8] =	dma.local @!p0 [hbm:s6], $0xF7A  }
0x23: {  	s9 =	sor.u32 $0xD0000000, s2;
	s6 =	simm.s32 $0x108;
	_ =	swait.ge @!p0 [sflag:s8], $0x0  }
0x24: {  	s3 =	sadd.s32 $0x88, s3;
	s6 =	simm.s32 @!p1 $0x1082;
	[sflag:s4] =	ssyncset.s32 $0xFFFFF086  }
0x25: {  	[simem:s6], [sflag:s4] =	dma.local [hbm:s3], $0xF7A  }
0x26: {  	[smem:$0x3F9C] =	sst s1;
	(tag) =	ssettag s2;
	_ =	strace s9  }
0x27: {  	s1 =	sld [smem:$0x3FAC]  }
0x28: {  	s2 =	sld [smem:$0x3FAD]  }
0x29: {  	s4 =	sld [smem:$0x3FAF]  }
0x2a: {  	p0 =	seq.s32 s5, $0x0;
	s5 =	sld [smem:$0x3FB0]  }
0x2b: {  	s6 =	sld [smem:$0x3FB1]  }
0x2c: {  	s7 =	sld [smem:$0x3FB2]  }
0x2d: {  	s3 =	simm.s32 $0x108;
	s8 =	sld [smem:$0x3FB3]  }
0x2e: {  	s3 =	simm.s32 @!p0 $0x1082;
	s9 =	sld [smem:$0x3FB4]  }
0x2f: {  	lr =	sadd.s32 s0, s3;
	s0 =	sld [smem:$0x3FAB]  }
0x30: {  	s3 =	sld [smem:$0x3FAE]  }
0x31: {  	[smem:$0x3FB7] =	sst s10  }
0x32: {  	s10 =	sld [smem:$0x3FB5];
	_ =	sdelay $0x3  }
0x33: {  	p0 =	seq.s32 s10, $0x1;
	s10 =	sld [smem:$0x3FB7];
	_ =	sdelay $0x3  }
0x34: {  	[smem:$0x3FB7] =	sst s10  }
0x35: {  	s10 =	sld [smem:$0x3FB6];
	_ =	sdelay $0x3  }
0x36: {  	p1 =	seq.s32 s10, $0x1;
	s10 =	sld [smem:$0x3FB7];
	_ =	sdelay $0x3  }
0x37: {  	[smem:$0x3FB7] =	sst s10  }
0x38: {  	s10 =	sld [smem:$0x3FB8]  }
0x39: {  	_ = 	snop;
	(pc) =	sbr.ind lr, $3  }
0x3a: {  	_ = 	snop  }
0x3b: {  	_ = 	snop  }
0x3c: {  	p2 =	seq.s32 s10, $0x1;
	s10 =	sld [smem:$0x3FB7]  }
0x3d: {  	_ =	shalt  }
0x3e: {  	_ =	shalt  }
0x3f: {  	_ =	shalt  }
0x40: {  	_ =	shalt  }
0x41: {  	_ =	shalt  }
0x42: {  	_ =	shalt  }
0x43: {  	_ =	shalt  }
0x44: {  	_ =	shalt  }
0x45: {  	_ =	shalt  }
0x46: {  	_ =	shalt  }
0x47: {  	_ =	shalt  }
0x48: {  	_ =	shalt  }
0x49: {  	_ =	shalt  }
0x4a: {  	_ =	shalt  }
0x4b: {  	_ =	shalt  }
0x4c: {  	_ =	shalt  }
0x4d: {  	_ =	shalt  }
0x4e: {  	_ =	shalt  }
0x4f: {  	_ =	shalt  }
0x50: {  	_ =	shalt  }
0x51: {  	_ =	shalt  }
0x52: {  	_ =	shalt  }
0x53: {  	_ =	shalt  }
0x54: {  	_ =	shalt  }
0x55: {  	_ =	shalt  }
0x56: {  	_ =	shalt  }
0x57: {  	_ =	shalt  }
0x58: {  	_ =	shalt  }
0x59: {  	_ =	shalt  }
0x5a: {  	_ =	shalt  }
0x5b: {  	_ =	shalt  }
0x5c: {  	_ =	shalt  }
0x5d: {  	_ =	shalt  }
0x5e: {  	_ =	shalt  }
0x5f: {  	_ =	shalt  }
0x60: {  	_ =	shalt  }
0x61: {  	_ =	shalt  }
0x62: {  	_ =	shalt  }
0x63: {  	_ =	shalt  }
0x64: {  	_ =	shalt  }
0x65: {  	_ =	shalt  }
0x66: {  	_ =	shalt  }
0x67: {  	_ =	shalt  }
0x68: {  	_ =	shalt  }
0x69: {  	_ =	shalt  }
0x6a: {  	_ =	shalt  }
0x6b: {  	_ =	shalt  }
0x6c: {  	_ =	shalt  }
0x6d: {  	_ =	shalt  }
0x6e: {  	_ =	shalt  }
0x6f: {  	_ =	shalt  }
0x70: {  	_ =	shalt  }
0x71: {  	_ =	shalt  }
0x72: {  	_ =	shalt  }
0x73: {  	_ =	shalt  }
0x74: {  	_ =	shalt  }
0x75: {  	_ =	shalt  }
0x76: {  	_ =	shalt  }
0x77: {  	_ =	shalt  }
0x78: {  	_ =	shalt  }
0x79: {  	_ =	shalt  }
0x7a: {  	_ =	shalt  }
0x7b: {  	_ =	shalt  }
0x7c: {  	_ =	shalt  }
0x7d: {  	_ =	shalt  }
0x7e: {  	_ =	shalt  }
0x7f: {  	_ =	shalt  }
0x80: {  	_ =	shalt  }
0x81: {  	_ =	shalt  }
0x82: {  	_ =	shalt  }
0x83: {  	_ =	shalt  }
0x84: {  	_ =	shalt  }
0x85: {  	_ =	shalt  }
0x86: {  	_ =	shalt  }
0x87: {  	_ =	shalt  }
.Lfunc_end0:
.L_simem_size_0:
called_computation_lowered:
.L_overlay_start_0:
0x88: {  	s2 =	sld [smem:$0x3FD9]  }
0x89: {  	s3 =	sld [smem:$0x3FFE];
	_ =	sdelay $0x1  }
0x8a: {  	s1 =	srdreg.scid  }
0x8b: {  	s0 =	sand.u32 $0x1, s1  }
0x8c: {  	s17 =	sshll.u32 s0, $0xA;
	s2 =	sadd.s32 s3, s2  }
0x8d: {  	s2 =	sadd.s32 s2, s17  }
0x8e: {  	[smem:$0x3FC3] =	sst s2  }
0x8f: {  	_ = 	snop  }
0x90: {  	s2 =	sld [smem:$0x3FD0];
	(tm) =	ssettm $0x1  }
0x91: {  	s18 =	sld [smem:$0x3FFB];
	_ =	sdelay $0x3  }
0x92: {  	_ =	strace s18  }
0x93: {  	s3 =	sld [smem:$0x3FFC];
	_ =	sdelay $0x3  }
0x94: {  	_ =	strace s3  }
0x95: {  	s3 =	sld [smem:$0x3FFD];
	_ =	sdelay $0x3  }
0x96: {  	_ =	strace s3  }
0x97: {  	_ =	strace $0x8FFFFFFF  }
0x98: {  	s19 =	sld [smem:$0x3FDB];
	_ =	sdelay $0x1  }
0x99: {  	s4 =	simm.s32 $_scs_section_size  }
0x9a: {  	s5 =	simm.s32 $_size__tile_overlayer_lowered;
	s6 =	simm.s32 $_tile_overlayer_lowered  }
0x9b: {  	s22 =	simm.s32 $0x1BFF;
	s21 =	sshll.u32 s6, $0x1;
	s3 =	sadd.s32 s4, s19  }
0x9c: {  	s7 =	simm.s32 $0x0;
	s20 =	sshll.u32 s5, $0x1;
	s5 =	sadd.s32 s21, s3  }
0x9d: {  	[timem:s7], [sflag:s22] =	dma.local [hbm:s5], s20  }
0x9e: {  	_ =	swait.ge [sflag:s22], s20  }
0x9f: {  	s4 =	ssub.s32 $0x0, s20;
	[sflag:s22] =	ssyncset.done $0x0  }
0xa0: {  	[sflag:s22] =	ssyncadd.s32 s4;
	_ =	sdelay $0x1  }
0xa1: {  	s23 =	simm.s32 $0x1B8B  }
0xa2: {  	_ =	swait.ge [sflag:s23], $0x1  }
0xa3: {  	[sflag:s23] =	ssyncset.done $0x0  }
0xa4: {  	s25 =	simm.s32 $0x1B8E;
	s24 =	sld [smem:$0x3FFE];
	[sflag:s23] =	ssyncadd.s32 $0xFFFFFFFF  }
0xa5: {  	s26 =	simm.s32 $execute0_lowered;
	[smem:$0x3FD2] =	sst s25  }
0xa6: {  	s5 =	sshll.u32 s26, $0x1;
	_ =	strace $0x80000046;
	[dreg:$0x1] =	wrdreg $0xFFFFFFFF  }
0xa7: {  	s28 =	simm.s32 $_size_execute0_lowered;
	s3 =	sadd.s32 s3, s5;
	[dreg:$0x0] =	wrdreg $0x0  }
0xa8: {  	s5 =	sshll.u32 s28, $0x1;
	[dreg:$0x2] =	wrdreg s3  }
0xa9: {  	[dreg:$0x3] =	wrdreg s5  }
0xaa: {  	[dreg:$0x4] =	wrdreg $0xC0  }
0xab: {  	_ =	task [dreg:s7], $0x5FFFF  }
0xac: {  	[dreg:$0x1] =	wrdreg $0xFFFFFFFF  }
0xad: {  	[dreg:$0x0] =	wrdreg $0x60  }
0xae: {  	[dreg:$0x2] =	wrdreg s2  }
0xaf: {  	[dreg:$0x3] =	wrdreg s24  }
0xb0: {  	[dreg:$0x4] =	wrdreg $0x9  }
0xb1: {  	_ =	task.clear_ibuf [dreg:s7], $0x5FFFF;
	_ =	strace $0x90000046  }
0xb2: {  	s29 =	simm.s32 $0x9;
	_ =	strace $0x80000048  }
0xb3: {  	_ =	swait.ge [sflag:s29], $0x1  }
0xb4: {  	[sflag:s29] =	ssyncadd.s32 $0xFFFFFFFF  }
0xb5: {  	_ =	strace $0x90000048  }
0xb6: {  	_ =	sfence  }
0xb7: {  	s30 =	sld [smem:$0x0];
	_ =	sdelay $0x2  }
0xb8: {  	s31 =	sshll.u32 s1, $0xD;
	s1 =	sshrl.u32 s1, $0x2  }
0xb9: {  	s3 =	sand.u32 $0x4000, s31;
	s1 =	sadd.s32 s1, s30  }
0xba: {  	s0 =	sor.u32 s3, s0;
	s1 =	sshll.u32 s1, $0x11  }
0xbb: {  	s0 =	sor.u32 s1, s0  }
0xbc: {  	s0 =	sadd.s32 $0x8F2B, s0  }
0xbd: {  	[sflag:s0] =	ssyncadd.remote.s32 $0x1  }
0xbe: {  	_ =	sfence.sel $0xFFFF  }
0xbf: {  	[dreg:$0x0] =	wrdreg $0xFFFFFFFF;
	(pc) =	sbr.abs _section_cstart, $3  }
0xc0: {  	[dreg:$0x1] =	wrdreg $0xFFFFFFFF  }
0xc1: {  	_ =	task.clear_ibuf [dreg:s7], $0x2FFFF;
	_ =	strace $0x9FFFFFFF  }
0xc2: {  	(tm) =	ssettm $0x7FFFFFFF  }
0xc3: {  	_ =	shalt  }
tec
execute0_lowered:
.L_overlay_start_1:
0x0: {  	(tag) =	ssettag $0x1  }
0x1: {  	s0 =	rddreg [dreg:$0x0]  }
0x2: {  	s1 =	rddreg [dreg:$0x1]  }
0x3: {  	s2 =	srdreg.scid;
	s4 =	simm.s32 $0x0;
	s3 =	stileid.u32  }
0x4: {  	s31 =	simm.s32 $0x800;
	s2 =	sand.u32 $0x1, s2;
	[smem:$0x7FF] =	sst s4  }
0x5: {  	s3 =	sshll.u32 s3, $0x9;
	s26 =	sshll.u32 s2, $0x8;
	_ =	strace $0x80000047  }
0x6: {  	s2 =	ssub.s32 $0x2, s2;
	[dreg:$0x5] =	wrdreg s31;
	s3 =	sor.u32 s26, s3  }
0x7: {  	s28 =	sshrl.u32 s2, $0x1;
	s1 =	sadd.s32 s3, s1;
	s0 =	sadd.s32 s0, s3  }
0x8: {  	v0 =	vlaneseq.u32;
	s30 =	ssub.s32 s2, s28;
	[dreg:$0x3] =	wrdreg s0;
	s29 =	sadd.s32 $0xE00, s1  }
0x9: {  	s10 =	simm.s32 $0x1;
	v1 =	vor.u32 $0x80000000, v0;
	s3 =	smax.u32 s30, $0x1;
	[dreg:$0x4] =	wrdreg s29  }
.LBB2_1:
0xa: {  	s0 =	rddreg [dreg:$0x3];
	s1 =	simm.s32 $0x0  }
0xb: {  	[tilespmem:s1], [sflag:$0x1] =	stream.linear.gather [hbm4b:s0+s1], $0x800, $0x38;
	[tilespmem:$0x1000] =	vst v63  }
0xc: {  	_ =	swait.ge [sflag:s10], $0x800  }
0xd: {  	[sflag:s10] =	ssyncset.done $0x0  }
0xe: {  	[sflag:s10] =	ssyncadd.s32 $0xFFFFF800  }
0xf: {  	v2 =	vld [tilespmem:$0x0];
	_ =	sdelay $0x4  }
0x10: {  	(xrf0) =	vmax.scan.msk.f32 $0xffff, v2;
	_ =	sdelay $0x5  }
0x11: {  	v3, _, _ =	vpop (xrf0)  }
0x12: {  	v4 =	vbroadcast v3, $0xF;
	_ =	sdelay $0x1  }
0x13: {  	vm0 =	veq.f32 v2, v4  }
0x14: {  	v4 =	vnsel vm0, $0x80000010, v1  }
0x15: {  	(xrf0) =	vmin.scan.msk.u32 $0xffff, v4;
	_ =	sdelay $0x5  }
0x16: {  	(v2sf) =	vpush v3, $0xF;
	v3, _, _ =	vpop (xrf0)  }
0x17: {  	(v2sf) =	vpush v3, $0xF;
	_ =	sdelay $0xd  }
0x18: {  	s14 =	spop (v2sf)  }
0x19: {  	s21 =	spop (v2sf)  }
0x1a: {  	s0 =	sxor.u32 $0x80000000, s21  }
0x1b: {  	v3 =	vmov s0  }
0x1c: {  	vm4 =	veq.s32 v3, v0  }
0x1d: {  	v2 =	vsel vm4, $0xFF800000, v2  }
0x1e: {  	(xrf0) =	vmax.scan.msk.f32 $0xffff, v2;
	_ =	sdelay $0x1  }
0x1f: {  	v3 =	vimm.s32 $0x0  }
0x20: {  	v3 =	vsel vm4, $0xFFFFFFFF, v3;
	_ =	sdelay $0x2  }
0x21: {  	[tilespmem:$0x1FFF0] =	vst v3;
	v3, _, _ =	vpop (xrf0)  }
0x22: {  	v5 =	vld [tilespmem:$0x80];
	v32 =	vbroadcast v3, $0xF;
	_ =	sdelay $0x1  }
0x23: {  	vm1 =	veq.f32 v2, v32  }
0x24: {  	v2 =	vnsel vm1, $0x80000010, v1  }
0x25: {  	(xrf0) =	vmin.scan.msk.u32 $0xffff, v2  }
0x26: {  	(xrf0) =	vmax.scan.msk.f32 $0xffff, v5;
	_ =	sdelay $0x4  }
0x27: {  	v2, _, _ =	vpop (xrf0)  }
0x28: {  	v33, _, _ =	vpop (xrf0)  }
0x29: {  	v6 =	vbroadcast v33, $0xF;
	_ =	sdelay $0x1  }
0x2a: {  	vm5 =	veq.f32 v5, v6  }
0x2b: {  	v6 =	vnsel vm5, $0x80000010, v1  }
0x2c: {  	(xrf0) =	vmin.scan.msk.u32 $0xffff, v6;
	_ =	sdelay $0x3  }
0x2d: {  	(v2sf) =	vpush v3, $0xF  }
0x2e: {  	(v2sf) =	vpush v2, $0xF  }
0x2f: {  	(v2sf) =	vpush v33, $0xF;
	v2, _, _ =	vpop (xrf0)  }
0x30: {  	(v2sf) =	vpush v2, $0xF;
	_ =	sdelay $0xb  }
0x31: {  	s17 =	spop (v2sf)  }
0x32: {  	s22 =	spop (v2sf)  }
0x33: {  	s16 =	spop (v2sf)  }
0x34: {  	s23 =	spop (v2sf)  }
0x35: {  	s0 =	sxor.u32 $0x80000000, s23  }
0x36: {  	v2 =	vmov s0  }
0x37: {  	vm1 =	veq.s32 v2, v0  }
0x38: {  	v2 =	vsel vm1, $0xFF800000, v5  }
0x39: {  	(xrf0) =	vmax.scan.msk.f32 $0xffff, v2;
	_ =	sdelay $0x5  }
0x3a: {  	v3, _, _ =	vpop (xrf0)  }
0x3b: {  	v35 =	vld [tilespmem:$0x100];
	v34 =	vbroadcast v3, $0xF;
	_ =	sdelay $0x1  }
0x3c: {  	vm2 =	veq.f32 v2, v34  }
0x3d: {  	v2 =	vnsel vm2, $0x80000010, v1  }
0x3e: {  	(xrf0) =	vmin.scan.msk.u32 $0xffff, v2  }
0x3f: {  	(xrf0) =	vmax.scan.msk.f32 $0xffff, v35;
	_ =	sdelay $0x4  }
0x40: {  	v2, _, _ =	vpop (xrf0)  }
0x41: {  	v36, _, _ =	vpop (xrf0)  }
0x42: {  	v37 =	vbroadcast v36, $0xF;
	_ =	sdelay $0x1  }
0x43: {  	vm6 =	veq.f32 v35, v37  }
0x44: {  	v6 =	vnsel vm6, $0x80000010, v1  }
0x45: {  	(xrf0) =	vmin.scan.msk.u32 $0xffff, v6;
	_ =	sdelay $0x3  }
0x46: {  	(v2sf) =	vpush v3, $0xF  }
0x47: {  	(v2sf) =	vpush v2, $0xF  }
0x48: {  	(v2sf) =	vpush v36, $0xF;
	v2, _, _ =	vpop (xrf0)  }
0x49: {  	(v2sf) =	vpush v2, $0xF;
	_ =	sdelay $0xb  }
0x4a: {  	s21 =	spop (v2sf)  }
0x4b: {  	s24 =	spop (v2sf)  }
0x4c: {  	s18 =	spop (v2sf)  }
0x4d: {  	s25 =	spop (v2sf)  }
0x4e: {  	s0 =	sxor.u32 $0x80000000, s25  }
0x4f: {  	v2 =	vmov s0  }
0x50: {  	vm2 =	veq.s32 v2, v0  }
0x51: {  	v2 =	vsel vm2, $0xFF800000, v35  }
0x52: {  	(xrf0) =	vmax.scan.msk.f32 $0xffff, v2;
	_ =	sdelay $0x5  }
0x53: {  	v3, _, _ =	vpop (xrf0)  }
0x54: {  	v39 =	vld [tilespmem:$0x180];
	v38 =	vbroadcast v3, $0xF;
	_ =	sdelay $0x1  }
0x55: {  	vm3 =	veq.f32 v2, v38  }
0x56: {  	v2 =	vnsel vm3, $0x80000010, v1  }
0x57: {  	(xrf0) =	vmin.scan.msk.u32 $0xffff, v2  }
0x58: {  	(xrf0) =	vmax.scan.msk.f32 $0xffff, v39;
	_ =	sdelay $0x4  }
0x59: {  	v2, _, _ =	vpop (xrf0)  }
0x5a: {  	v40, _, _ =	vpop (xrf0)  }
0x5b: {  	v41 =	vbroadcast v40, $0xF;
	_ =	sdelay $0x1  }
0x5c: {  	vm7 =	veq.f32 v39, v41  }
0x5d: {  	v6 =	vnsel vm7, $0x80000010, v1  }
0x5e: {  	(xrf0) =	vmin.scan.msk.u32 $0xffff, v6;
	_ =	sdelay $0x3  }
0x5f: {  	(v2sf) =	vpush v3, $0xF  }
0x60: {  	(v2sf) =	vpush v2, $0xF  }
0x61: {  	(v2sf) =	vpush v40, $0xF;
	v2, _, _ =	vpop (xrf0)  }
0x62: {  	(v2sf) =	vpush v2, $0xF;
	_ =	sdelay $0xb  }
0x63: {  	s23 =	spop (v2sf)  }
0x64: {  	s26 =	spop (v2sf)  }
0x65: {  	s20 =	spop (v2sf)  }
0x66: {  	s28 =	spop (v2sf)  }
0x67: {  	s0 =	sxor.u32 $0x80000000, s28  }
0x68: {  	v2 =	vmov s0  }
0x69: {  	vm3 =	veq.s32 v2, v0  }
0x6a: {  	v2 =	vsel vm3, $0xFF800000, v39  }
0x6b: {  	(xrf0) =	vmax.scan.msk.f32 $0xffff, v2;
	_ =	sdelay $0x5  }
0x6c: {  	v3, _, _ =	vpop (xrf0)  }
0x6d: {  	v43 =	vld [tilespmem:$0x200];
	v42 =	vbroadcast v3, $0xF;
	_ =	sdelay $0x1  }
0x6e: {  	vm4 =	veq.f32 v2, v42  }
0x6f: {  	v2 =	vnsel vm4, $0x80000010, v1  }
0x70: {  	(xrf0) =	vmin.scan.msk.u32 $0xffff, v2  }
0x71: {  	(xrf0) =	vmax.scan.msk.f32 $0xffff, v43;
	_ =	sdelay $0x4  }
0x72: {  	v2, _, _ =	vpop (xrf0)  }
0x73: {  	v44, _, _ =	vpop (xrf0)  }
0x74: {  	v45 =	vbroadcast v44, $0xF;
	_ =	sdelay $0x1  }
0x75: {  	vm8 =	veq.f32 v43, v45  }
0x76: {  	v6 =	vnsel vm8, $0x80000010, v1  }
0x77: {  	(xrf0) =	vmin.scan.msk.u32 $0xffff, v6;
	_ =	sdelay $0x3  }
0x78: {  	(v2sf) =	vpush v3, $0xF  }
0x79: {  	(v2sf) =	vpush v2, $0xF  }
0x7a: {  	(v2sf) =	vpush v44, $0xF;
	v2, _, _ =	vpop (xrf0)  }
0x7b: {  	(v2sf) =	vpush v2, $0xF;
	_ =	sdelay $0xb  }
0x7c: {  	s25 =	spop (v2sf)  }
0x7d: {  	s29 =	spop (v2sf)  }
0x7e: {  	[dreg:$0x6] =	wrdreg s22;
	s22 =	spop (v2sf)  }
0x7f: {  	s30 =	spop (v2sf)  }
0x80: {  	s0 =	sxor.u32 $0x80000000, s30  }
0x81: {  	v2 =	vmov s0  }
0x82: {  	vm4 =	veq.s32 v2, v0  }
0x83: {  	v2 =	vsel vm4, $0xFF800000, v43  }
0x84: {  	(xrf0) =	vmax.scan.msk.f32 $0xffff, v2;
	_ =	sdelay $0x5  }
0x85: {  	v3, _, _ =	vpop (xrf0)  }
0x86: {  	v47 =	vld [tilespmem:$0x280];
	v46 =	vbroadcast v3, $0xF;
	_ =	sdelay $0x1  }
0x87: {  	vm5 =	veq.f32 v2, v46  }
0x88: {  	v2 =	vnsel vm5, $0x80000010, v1  }
0x89: {  	(xrf0) =	vmin.scan.msk.u32 $0xffff, v2  }
0x8a: {  	(xrf0) =	vmax.scan.msk.f32 $0xffff, v47;
	_ =	sdelay $0x4  }
0x8b: {  	v2, _, _ =	vpop (xrf0)  }
0x8c: {  	v48, _, _ =	vpop (xrf0)  }
0x8d: {  	v49 =	vbroadcast v48, $0xF;
	_ =	sdelay $0x1  }
0x8e: {  	vm9 =	veq.f32 v47, v49  }
0x8f: {  	v6 =	vnsel vm9, $0x80000010, v1  }
0x90: {  	(xrf0) =	vmin.scan.msk.u32 $0xffff, v6;
	_ =	sdelay $0x3  }
0x91: {  	(v2sf) =	vpush v3, $0xF  }
0x92: {  	(v2sf) =	vpush v2, $0xF  }
0x93: {  	(v2sf) =	vpush v48, $0xF;
	v2, _, _ =	vpop (xrf0)  }
0x94: {  	(v2sf) =	vpush v2, $0xF;
	_ =	sdelay $0xb  }
0x95: {  	[dreg:$0x8] =	wrdreg s26;
	s26 =	spop (v2sf)  }
0x96: {  	s31 =	spop (v2sf)  }
0x97: {  	[dreg:$0x7] =	wrdreg s24;
	s24 =	spop (v2sf)  }
0x98: {  	s1 =	spop (v2sf)  }
0x99: {  	s0 =	sxor.u32 $0x80000000, s1  }
0x9a: {  	v2 =	vmov s0  }
0x9b: {  	vm5 =	veq.s32 v2, v0  }
0x9c: {  	v2 =	vsel vm5, $0xFF800000, v47  }
0x9d: {  	(xrf0) =	vmax.scan.msk.f32 $0xffff, v2;
	_ =	sdelay $0x5  }
0x9e: {  	v3, _, _ =	vpop (xrf0)  }
0x9f: {  	v51 =	vld [tilespmem:$0x300];
	v50 =	vbroadcast v3, $0xF;
	_ =	sdelay $0x1  }
0xa0: {  	vm6 =	veq.f32 v2, v50  }
0xa1: {  	v2 =	vnsel vm6, $0x80000010, v1  }
0xa2: {  	(xrf0) =	vmin.scan.msk.u32 $0xffff, v2  }
0xa3: {  	(xrf0) =	vmax.scan.msk.f32 $0xffff, v51;
	_ =	sdelay $0x4  }
0xa4: {  	v2, _, _ =	vpop (xrf0)  }
0xa5: {  	v52, _, _ =	vpop (xrf0)  }
0xa6: {  	v53 =	vbroadcast v52, $0xF;
	_ =	sdelay $0x1  }
0xa7: {  	vm10 =	veq.f32 v51, v53  }
0xa8: {  	v6 =	vnsel vm10, $0x80000010, v1  }
0xa9: {  	(xrf0) =	vmin.scan.msk.u32 $0xffff, v6;
	_ =	sdelay $0x3  }
0xaa: {  	(v2sf) =	vpush v3, $0xF  }
0xab: {  	(v2sf) =	vpush v2, $0xF  }
0xac: {  	(v2sf) =	vpush v52, $0xF;
	v2, _, _ =	vpop (xrf0)  }
0xad: {  	(v2sf) =	vpush v2, $0xF;
	_ =	sdelay $0xb  }
0xae: {  	s30 =	spop (v2sf)  }
0xaf: {  	s2 =	spop (v2sf)  }
0xb0: {  	s28 =	spop (v2sf)  }
0xb1: {  	s4 =	spop (v2sf)  }
0xb2: {  	s0 =	sxor.u32 $0x80000000, s4  }
0xb3: {  	v2 =	vmov s0  }
0xb4: {  	vm6 =	veq.s32 v2, v0  }
0xb5: {  	v2 =	vsel vm6, $0xFF800000, v51  }
0xb6: {  	(xrf0) =	vmax.scan.msk.f32 $0xffff, v2;
	_ =	sdelay $0x5  }
0xb7: {  	v3, _, _ =	vpop (xrf0)  }
0xb8: {  	v55 =	vld [tilespmem:$0x380];
	v54 =	vbroadcast v3, $0xF;
	_ =	sdelay $0x1  }
0xb9: {  	vm7 =	veq.f32 v2, v54  }
0xba: {  	v2 =	vnsel vm7, $0x80000010, v1  }
0xbb: {  	(xrf0) =	vmin.scan.msk.u32 $0xffff, v2  }
0xbc: {  	(xrf0) =	vmax.scan.msk.f32 $0xffff, v55;
	_ =	sdelay $0x4  }
0xbd: {  	v2, _, _ =	vpop (xrf0)  }
0xbe: {  	v56, _, _ =	vpop (xrf0)  }
0xbf: {  	v57 =	vbroadcast v56, $0xF;
	_ =	sdelay $0x1  }
0xc0: {  	vm11 =	veq.f32 v55, v57  }
0xc1: {  	v6 =	vnsel vm11, $0x80000010, v1  }
0xc2: {  	(xrf0) =	vmin.scan.msk.u32 $0xffff, v6;
	_ =	sdelay $0x3  }
0xc3: {  	(v2sf) =	vpush v3, $0xF  }
0xc4: {  	(v2sf) =	vpush v2, $0xF  }
0xc5: {  	(v2sf) =	vpush v56, $0xF;
	v2, _, _ =	vpop (xrf0)  }
0xc6: {  	(v2sf) =	vpush v2, $0xF;
	_ =	sdelay $0xb  }
0xc7: {  	s8 =	spop (v2sf)  }
0xc8: {  	s11 =	spop (v2sf)  }
0xc9: {  	[dreg:$0x9] =	wrdreg s29;
	s29 =	spop (v2sf)  }
0xca: {  	s5 =	spop (v2sf)  }
0xcb: {  	s0 =	sxor.u32 $0x80000000, s5  }
0xcc: {  	v2 =	vmov s0  }
0xcd: {  	vm7 =	veq.s32 v2, v0  }
0xce: {  	v2 =	vsel vm7, $0xFF800000, v55  }
0xcf: {  	(xrf0) =	vmax.scan.msk.f32 $0xffff, v2;
	_ =	sdelay $0x5  }
0xd0: {  	v3, _, _ =	vpop (xrf0)  }
0xd1: {  	v59 =	vld [tilespmem:$0x400];
	v58 =	vbroadcast v3, $0xF;
	_ =	sdelay $0x1  }
0xd2: {  	vm8 =	veq.f32 v2, v58  }
0xd3: {  	v2 =	vnsel vm8, $0x80000010, v1  }
0xd4: {  	(xrf0) =	vmin.scan.msk.u32 $0xffff, v2  }
0xd5: {  	(xrf0) =	vmax.scan.msk.f32 $0xffff, v59;
	_ =	sdelay $0x4  }
0xd6: {  	v2, _, _ =	vpop (xrf0)  }
0xd7: {  	v60, _, _ =	vpop (xrf0)  }
0xd8: {  	v61 =	vbroadcast v60, $0xF;
	_ =	sdelay $0x1  }
0xd9: {  	vm12 =	veq.f32 v59, v61  }
0xda: {  	v6 =	vnsel vm12, $0x80000010, v1  }
0xdb: {  	(xrf0) =	vmin.scan.msk.u32 $0xffff, v6;
	_ =	sdelay $0x3  }
0xdc: {  	(v2sf) =	vpush v3, $0xF  }
0xdd: {  	(v2sf) =	vpush v2, $0xF  }
0xde: {  	(v2sf) =	vpush v60, $0xF;
	v2, _, _ =	vpop (xrf0)  }
0xdf: {  	(v2sf) =	vpush v2, $0xF;
	_ =	sdelay $0xb  }
0xe0: {  	[dreg:$0xb] =	wrdreg s2;
	s2 =	spop (v2sf)  }
0xe1: {  	s12 =	spop (v2sf)  }
0xe2: {  	[dreg:$0xa] =	wrdreg s31;
	s31 =	spop (v2sf)  }
0xe3: {  	s6 =	spop (v2sf)  }
0xe4: {  	s0 =	sxor.u32 $0x80000000, s6  }
0xe5: {  	v2 =	vmov s0  }
0xe6: {  	vm8 =	veq.s32 v2, v0  }
0xe7: {  	v2 =	vsel vm8, $0xFF800000, v59  }
0xe8: {  	(xrf0) =	vmax.scan.msk.f32 $0xffff, v2;
	_ =	sdelay $0x5  }
0xe9: {  	v3, _, _ =	vpop (xrf0)  }
0xea: {  	v63 =	vld [tilespmem:$0x480];
	v62 =	vbroadcast v3, $0xF;
	_ =	sdelay $0x1  }
0xeb: {  	vm9 =	veq.f32 v2, v62  }
0xec: {  	v2 =	vnsel vm9, $0x80000010, v1  }
0xed: {  	(xrf0) =	vmin.scan.msk.u32 $0xffff, v2  }
0xee: {  	(xrf0) =	vmax.scan.msk.f32 $0xffff, v63;
	_ =	sdelay $0x4  }
0xef: {  	v2, _, _ =	vpop (xrf0)  }
0xf0: {  	v9, _, _ =	vpop (xrf0)  }
0xf1: {  	v10 =	vbroadcast v9, $0xF;
	_ =	sdelay $0x1  }
0xf2: {  	vm13 =	veq.f32 v63, v10  }
0xf3: {  	v6 =	vnsel vm13, $0x80000010, v1  }
0xf4: {  	(xrf0) =	vmin.scan.msk.u32 $0xffff, v6;
	_ =	sdelay $0x3  }
0xf5: {  	(v2sf) =	vpush v3, $0xF  }
0xf6: {  	(v2sf) =	vpush v2, $0xF  }
0xf7: {  	(v2sf) =	vpush v9, $0xF;
	v2, _, _ =	vpop (xrf0)  }
0xf8: {  	(v2sf) =	vpush v2, $0xF;
	_ =	sdelay $0xb  }
0xf9: {  	s5 =	spop (v2sf)  }
0xfa: {  	s13 =	spop (v2sf)  }
0xfb: {  	s1 =	spop (v2sf)  }
0xfc: {  	s7 =	spop (v2sf)  }
0xfd: {  	s0 =	sxor.u32 $0x80000000, s7  }
0xfe: {  	v2 =	vmov s0  }
0xff: {  	vm9 =	veq.s32 v2, v0  }
0x100: {  	v2 =	vsel vm9, $0xFF800000, v63  }
0x101: {  	(xrf0) =	vmax.scan.msk.f32 $0xffff, v2;
	_ =	sdelay $0x5  }
0x102: {  	v3, _, _ =	vpop (xrf0)  }
0x103: {  	v12 =	vld [tilespmem:$0x500];
	v11 =	vbroadcast v3, $0xF;
	_ =	sdelay $0x1  }
0x104: {  	vm10 =	veq.f32 v2, v11  }
0x105: {  	v2 =	vnsel vm10, $0x80000010, v1  }
0x106: {  	(xrf0) =	vmin.scan.msk.u32 $0xffff, v2  }
0x107: {  	(xrf0) =	vmax.scan.msk.f32 $0xffff, v12;
	_ =	sdelay $0x4  }
0x108: {  	v2, _, _ =	vpop (xrf0)  }
0x109: {  	v13, _, _ =	vpop (xrf0)  }
0x10a: {  	v14 =	vbroadcast v13, $0xF;
	_ =	sdelay $0x1  }
0x10b: {  	vm14 =	veq.f32 v12, v14  }
0x10c: {  	v6 =	vnsel vm14, $0x80000010, v1  }
0x10d: {  	(xrf0) =	vmin.scan.msk.u32 $0xffff, v6;
	_ =	sdelay $0x3  }
0x10e: {  	(v2sf) =	vpush v3, $0xF  }
0x10f: {  	(v2sf) =	vpush v2, $0xF  }
0x110: {  	(v2sf) =	vpush v13, $0xF;
	v2, _, _ =	vpop (xrf0)  }
0x111: {  	(v2sf) =	vpush v2, $0xF;
	_ =	sdelay $0xb  }
0x112: {  	s7 =	spop (v2sf)  }
0x113: {  	s15 =	spop (v2sf)  }
0x114: {  	s4 =	spop (v2sf)  }
0x115: {  	s9 =	spop (v2sf)  }
0x116: {  	s0 =	sxor.u32 $0x80000000, s9  }
0x117: {  	v2 =	vmov s0  }
0x118: {  	vm10 =	veq.s32 v2, v0  }
0x119: {  	v2 =	vsel vm10, $0xFF800000, v12  }
0x11a: {  	(xrf0) =	vmax.scan.msk.f32 $0xffff, v2;
	_ =	sdelay $0x5  }
0x11b: {  	v3, _, _ =	vpop (xrf0)  }
0x11c: {  	v16 =	vld [tilespmem:$0x580];
	v15 =	vbroadcast v3, $0xF;
	_ =	sdelay $0x1  }
0x11d: {  	vm11 =	veq.f32 v2, v15  }
0x11e: {  	v2 =	vnsel vm11, $0x80000010, v1  }
0x11f: {  	(xrf0) =	vmin.scan.msk.u32 $0xffff, v2  }
0x120: {  	(xrf0) =	vmax.scan.msk.f32 $0xffff, v16;
	_ =	sdelay $0x4  }
0x121: {  	v2, _, _ =	vpop (xrf0)  }
0x122: {  	v17, _, _ =	vpop (xrf0)  }
0x123: {  	v18 =	vbroadcast v17, $0xF;
	_ =	sdelay $0x1  }
0x124: {  	vm15 =	veq.f32 v16, v18  }
0x125: {  	v6 =	vnsel vm15, $0x80000010, v1  }
0x126: {  	(xrf0) =	vmin.scan.msk.u32 $0xffff, v6;
	_ =	sdelay $0x3  }
0x127: {  	(v2sf) =	vpush v3, $0xF  }
0x128: {  	(v2sf) =	vpush v2, $0xF  }
0x129: {  	(v2sf) =	vpush v17, $0xF;
	v2, _, _ =	vpop (xrf0)  }
0x12a: {  	(v2sf) =	vpush v2, $0xF;
	_ =	sdelay $0xb  }
0x12b: {  	s0 =	spop (v2sf)  }
0x12c: {  	s19 =	spop (v2sf)  }
0x12d: {  	s6 =	spop (v2sf)  }
0x12e: {  	s9 =	spop (v2sf)  }
0x12f: {  	s9 =	sxor.u32 $0x80000000, s9  }
0x130: {  	v2 =	vmov s9  }
0x131: {  	vm11 =	veq.s32 v2, v0  }
0x132: {  	v2 =	vsel vm11, $0xFF800000, v16  }
0x133: {  	(xrf0) =	vmax.scan.msk.f32 $0xffff, v2;
	_ =	sdelay $0x5  }
0x134: {  	v3, _, _ =	vpop (xrf0)  }
0x135: {  	v20 =	vld [tilespmem:$0x600];
	v19 =	vbroadcast v3, $0xF;
	_ =	sdelay $0x1  }
0x136: {  	vm12 =	veq.f32 v2, v19  }
0x137: {  	v2 =	vnsel vm12, $0x80000010, v1  }
0x138: {  	(xrf0) =	vmin.scan.msk.u32 $0xffff, v2  }
0x139: {  	(xrf0) =	vmax.scan.msk.f32 $0xffff, v20;
	_ =	sdelay $0x4  }
0x13a: {  	v2, _, _ =	vpop (xrf0)  }
0x13b: {  	v21, _, _ =	vpop (xrf0)  }
0x13c: {  	v22 =	vbroadcast v21, $0xF;
	_ =	sdelay $0x1  }
0x13d: {  	vm0 =	veq.f32 v20, v22  }
0x13e: {  	v6 =	vnsel vm0, $0x80000010, v1  }
0x13f: {  	(xrf0) =	vmin.scan.msk.u32 $0xffff, v6;
	_ =	sdelay $0x3  }
0x140: {  	s17 =	ssub.f32 s17, s14;
	(v2sf) =	vpush v3, $0xF  }
0x141: {  	(v2sf) =	vpush v2, $0xF  }
0x142: {  	v2 =	vmov s17;
	(v2sf) =	vpush v21, $0xF;
	v3, _, _ =	vpop (xrf0)  }
0x143: {  	v2 =	vmul.f32 $1.442695020e+00, v2;
	(v2sf) =	vpush v3, $0xF;
	_ =	sdelay $0x1  }
0x144: {  	v2 =	vbroadcast v2, $0x0;
	_ =	sdelay $0x1  }
0x145: {  	(erf) = vpow2.f32 v2;
	_ =	sdelay $0x6  }
0x146: {  	s14 =	ssub.f32 s21, s16  }
0x147: {  	s21 =	spop (v2sf)  }
0x148: {  	v2 =	vmov s14;
	v3 =	vpop (erf);
	s14 =	spop (v2sf)  }
0x149: {  	v2 =	vmul.f32 $1.442695020e+00, v2;
	v3 =	vadd.f32 $1.000000000e+00, v3;
	s17 =	spop (v2sf)  }
0x14a: {  	s16 =	spop (v2sf)  }
0x14b: {  	v2 =	vbroadcast v2, $0x0;
	(erf) = vrcp.f32 v3;
	s9 =	sxor.u32 $0x80000000, s16  }
0x14c: {  	v3 =	vmov s9  }
0x14d: {  	(erf) = vpow2.f32 v2;
	vm12 =	veq.s32 v3, v0  }
0x14e: {  	v3 =	vsel vm12, $0xFF800000, v20  }
0x14f: {  	(xrf0) =	vmax.scan.msk.f32 $0xffff, v3;
	_ =	sdelay $0x3  }
0x150: {  	s18 =	ssub.f32 s23, s18  }
0x151: {  	v2 =	vpop (erf)  }
0x152: {  	v23 =	vmov s18;
	v24, _, _ =	vpop (xrf0)  }
0x153: {  	v8 =	vld [tilespmem:$0x680];
	v4 =	vmul.f32 $1.442695020e+00, v23;
	v25 =	vpop (erf);
	v7 =	vbroadcast v24, $0xF  }
0x154: {  	v6 =	vadd.f32 $1.000000000e+00, v25  }
0x155: {  	v4 =	vbroadcast v4, $0x0;
	vm13 =	veq.f32 v3, v7  }
0x156: {  	(erf) = vrcp.f32 v6;
	v3 =	vnsel vm13, $0x80000010, v1  }
0x157: {  	(erf) = vpow2.f32 v4;
	(xrf0) =	vmin.scan.msk.u32 $0xffff, v3  }
0x158: {  	(xrf0) =	vmax.scan.msk.f32 $0xffff, v8;
	_ =	sdelay $0x4  }
0x159: {  	s20 =	ssub.f32 s25, s20;
	v26, _, _ =	vpop (xrf0)  }
0x15a: {  	v27, _, _ =	vpop (xrf0)  }
0x15b: {  	v28 =	vmov s20;
	v3 =	vpop (erf);
	v9 =	vbroadcast v27, $0xF  }
0x15c: {  	v7 =	vmul.f32 $1.442695020e+00, v28;
	v10 =	vpop (erf)  }
0x15d: {  	v10 =	vadd.f32 $1.000000000e+00, v10;
	vm0 =	veq.f32 v8, v9  }
0x15e: {  	v7 =	vbroadcast v7, $0x0;
	v9 =	vnsel vm0, $0x80000010, v1  }
0x15f: {  	(erf) = vrcp.f32 v10;
	(xrf0) =	vmin.scan.msk.u32 $0xffff, v9  }
0x160: {  	(erf) = vpow2.f32 v7;
	_ =	sdelay $0x2  }
0x161: {  	(v2sf) =	vpush v24, $0xF  }
0x162: {  	(v2sf) =	vpush v26, $0xF  }
0x163: {  	(v2sf) =	vpush v27, $0xF;
	v29, _, _ =	vpop (xrf0)  }
0x164: {  	s23 =	ssub.f32 s26, s22;
	(v2sf) =	vpush v29, $0xF;
	_ =	sdelay $0x1  }
0x165: {  	v30 =	vmov s23;
	v4 =	vpop (erf)  }
0x166: {  	v5 =	vmul.f32 $1.442695020e+00, v30;
	v31 =	vpop (erf)  }
0x167: {  	v6 =	vadd.f32 $1.000000000e+00, v31  }
0x168: {  	v5 =	vbroadcast v5, $0x0  }
0x169: {  	(erf) = vrcp.f32 v6  }
0x16a: {  	(erf) = vpow2.f32 v5;
	_ =	sdelay $0x4  }
0x16b: {  	s25 =	spop (v2sf)  }
0x16c: {  	s26 =	ssub.f32 s30, s24;
	s16 =	spop (v2sf)  }
0x16d: {  	s18 =	spop (v2sf)  }
0x16e: {  	v32 =	vmov s26;
	v5 =	vpop (erf);
	s30 =	spop (v2sf)  }
0x16f: {  	v6 =	vmul.f32 $1.442695020e+00, v32;
	v33 =	vpop (erf);
	s9 =	sxor.u32 $0x80000000, s30  }
0x170: {  	v7 =	vadd.f32 $1.000000000e+00, v33;
	v34 =	vmov s9  }
0x171: {  	v6 =	vbroadcast v6, $0x0;
	vm13 =	veq.s32 v34, v0  }
0x172: {  	(erf) = vrcp.f32 v7;
	v35 =	vsel vm13, $0xFF800000, v8  }
0x173: {  	(erf) = vpow2.f32 v6;
	(xrf0) =	vmax.scan.msk.f32 $0xffff, v35;
	_ =	sdelay $0x5  }
0x174: {  	s8 =	ssub.f32 s8, s28;
	v36, _, _ =	vpop (xrf0)  }
0x175: {  	v38 =	vld [tilespmem:$0x700];
	v37 =	vbroadcast v36, $0xF  }
0x176: {  	v11 =	vmov s8;
	v6 =	vpop (erf)  }
0x177: {  	v11 =	vmul.f32 $1.442695020e+00, v11;
	v12 =	vpop (erf);
	vm14 =	veq.f32 v35, v37  }
0x178: {  	v39 =	vadd.f32 $1.000000000e+00, v12;
	v9 =	vnsel vm14, $0x80000010, v1  }
0x179: {  	v11 =	vbroadcast v11, $0x0;
	(xrf0) =	vmin.scan.msk.u32 $0xffff, v9  }
0x17a: {  	(erf) = vrcp.f32 v39;
	(xrf0) =	vmax.scan.msk.f32 $0xffff, v38  }
0x17b: {  	(erf) = vpow2.f32 v11;
	_ =	sdelay $0x3  }
0x17c: {  	v9, _, _ =	vpop (xrf0)  }
0x17d: {  	v40, _, _ =	vpop (xrf0)  }
0x17e: {  	s2 =	ssub.f32 s2, s29;
	v41 =	vbroadcast v40, $0xF;
	_ =	sdelay $0x1  }
0x17f: {  	v13 =	vmov s2;
	v7 =	vpop (erf);
	vm0 =	veq.f32 v38, v41  }
0x180: {  	v13 =	vmul.f32 $1.442695020e+00, v13;
	v42 =	vpop (erf);
	v14 =	vnsel vm0, $0x80000010, v1  }
0x181: {  	v12 =	vadd.f32 $1.000000000e+00, v42;
	(xrf0) =	vmin.scan.msk.u32 $0xffff, v14  }
0x182: {  	v13 =	vbroadcast v13, $0x0  }
0x183: {  	(erf) = vrcp.f32 v12  }
0x184: {  	(erf) = vpow2.f32 v13  }
0x185: {  	(v2sf) =	vpush v36, $0xF  }
0x186: {  	(v2sf) =	vpush v9, $0xF  }
0x187: {  	(v2sf) =	vpush v40, $0xF;
	v43, _, _ =	vpop (xrf0)  }
0x188: {  	(v2sf) =	vpush v43, $0xF;
	_ =	sdelay $0x1  }
0x189: {  	s31 =	ssub.f32 s5, s31;
	_ =	sdelay $0x1  }
0x18a: {  	v44 =	vmov s31;
	v8 =	vpop (erf)  }
0x18b: {  	v9 =	vmul.f32 $1.442695020e+00, v44;
	v45 =	vpop (erf)  }
0x18c: {  	v11 =	vadd.f32 $1.000000000e+00, v45  }
0x18d: {  	v9 =	vbroadcast v9, $0x0  }
0x18e: {  	(erf) = vrcp.f32 v11  }
0x18f: {  	(erf) = vpow2.f32 v9;
	_ =	sdelay $0x2  }
0x190: {  	s5 =	spop (v2sf)  }
0x191: {  	s2 =	spop (v2sf)  }
0x192: {  	s9 =	spop (v2sf)  }
0x193: {  	s1 =	ssub.f32 s7, s1;
	s22 =	spop (v2sf)  }
0x194: {  	s7 =	sxor.u32 $0x80000000, s22  }
0x195: {  	v46 =	vmov s1;
	v9 =	vpop (erf);
	v47 =	vmov s7  }
0x196: {  	v11 =	vmul.f32 $1.442695020e+00, v46;
	v48 =	vpop (erf);
	vm14 =	veq.s32 v47, v0  }
0x197: {  	v49 =	vadd.f32 $1.000000000e+00, v48;
	v10 =	vsel vm14, $0xFF800000, v38  }
0x198: {  	v11 =	vbroadcast v11, $0x0;
	(xrf0) =	vmax.scan.msk.f32 $0xffff, v10  }
0x199: {  	(erf) = vrcp.f32 v49  }
0x19a: {  	(erf) = vpow2.f32 v11;
	_ =	sdelay $0x3  }
0x19b: {  	v50, _, _ =	vpop (xrf0)  }
0x19c: {  	v52 =	vld [tilespmem:$0x780];
	v51 =	vbroadcast v50, $0xF  }
0x19d: {  	s0 =	ssub.f32 s0, s4  }
0x19e: {  	vm15 =	veq.f32 v10, v51  }
0x19f: {  	v53 =	vmov s0;
	v54 =	vpop (erf);
	v55 =	vnsel vm15, $0x80000010, v1  }
0x1a0: {  	v11 =	vmul.f32 $1.442695020e+00, v53;
	v15 =	vpop (erf);
	(xrf0) =	vmin.scan.msk.u32 $0xffff, v55  }
0x1a1: {  	v56 =	vadd.f32 $1.000000000e+00, v15;
	(xrf0) =	vmax.scan.msk.f32 $0xffff, v52  }
0x1a2: {  	v11 =	vbroadcast v11, $0x0  }
0x1a3: {  	(erf) = vrcp.f32 v56  }
0x1a4: {  	(erf) = vpow2.f32 v11;
	_ =	sdelay $0x1  }
0x1a5: {  	v57, _, _ =	vpop (xrf0)  }
0x1a6: {  	v58, _, _ =	vpop (xrf0)  }
0x1a7: {  	v59 =	vbroadcast v58, $0xF;
	_ =	sdelay $0x1  }
0x1a8: {  	s23 =	ssub.f32 s21, s6;
	vm0 =	veq.f32 v52, v59  }
0x1a9: {  	v16 =	vnsel vm0, $0x80000010, v1  }
0x1aa: {  	v17 =	vmov s23;
	v60 =	vpop (erf);
	(xrf0) =	vmin.scan.msk.u32 $0xffff, v16  }
0x1ab: {  	v17 =	vmul.f32 $1.442695020e+00, v17;
	v61 =	vpop (erf)  }
0x1ac: {  	v16 =	vadd.f32 $1.000000000e+00, v61  }
0x1ad: {  	v17 =	vbroadcast v17, $0x0  }
0x1ae: {  	(v2sf) =	vpush v50, $0xF;
	(erf) = vrcp.f32 v16  }
0x1af: {  	(v2sf) =	vpush v57, $0xF;
	(erf) = vpow2.f32 v17  }
0x1b0: {  	(v2sf) =	vpush v58, $0xF;
	v62, _, _ =	vpop (xrf0)  }
0x1b1: {  	(v2sf) =	vpush v62, $0xF;
	_ =	sdelay $0x3  }
0x1b2: {  	s24 =	ssub.f32 s25, s17;
	_ =	sdelay $0x1  }
0x1b3: {  	v23 =	vmov s24;
	v63 =	vpop (erf)  }
0x1b4: {  	v14 =	vmul.f32 $1.442695020e+00, v23;
	v24 =	vpop (erf)  }
0x1b5: {  	v15 =	vadd.f32 $1.000000000e+00, v24  }
0x1b6: {  	v14 =	vbroadcast v14, $0x0  }
0x1b7: {  	(erf) = vrcp.f32 v15  }
0x1b8: {  	(erf) = vpow2.f32 v14  }
0x1b9: {  	s25 =	spop (v2sf)  }
0x1ba: {  	s0 =	spop (v2sf)  }
0x1bb: {  	s26 =	spop (v2sf)  }
0x1bc: {  	s28 =	spop (v2sf)  }
0x1bd: {  	s6 =	sxor.u32 $0x80000000, s28  }
0x1be: {  	s29 =	ssub.f32 s5, s18;
	v25 =	vmov s6  }
0x1bf: {  	vm15 =	veq.s32 v25, v0  }
0x1c0: {  	v26 =	vmov s29;
	v15 =	vpop (erf);
	v13 =	vsel vm15, $0xFF800000, v52  }
0x1c1: {  	v14 =	vmul.f32 $1.442695020e+00, v26;
	v27 =	vpop (erf);
	(xrf0) =	vmax.scan.msk.f32 $0xffff, v13  }
0x1c2: {  	v16 =	vadd.f32 $1.000000000e+00, v27  }
0x1c3: {  	v14 =	vbroadcast v14, $0x0  }
0x1c4: {  	(erf) = vrcp.f32 v16  }
0x1c5: {  	(erf) = vpow2.f32 v14;
	_ =	sdelay $0x1  }
0x1c6: {  	v28, _, _ =	vpop (xrf0)  }
0x1c7: {  	(v2sf) =	vpush v28, $0xF;
	_ =	sdelay $0x2  }
0x1c8: {  	s1 =	ssub.f32 s25, s9;
	_ =	sdelay $0x1  }
0x1c9: {  	v29 =	vmov s1;
	v16 =	vpop (erf)  }
0x1ca: {  	v17 =	vmul.f32 $1.442695020e+00, v29;
	v18 =	vpop (erf)  }
0x1cb: {  	v18 =	vadd.f32 $1.000000000e+00, v18  }
0x1cc: {  	v17 =	vbroadcast v17, $0x0  }
0x1cd: {  	(erf) = vrcp.f32 v18  }
0x1ce: {  	(erf) = vpow2.f32 v17;
	_ =	sdelay $0x4  }
0x1cf: {  	s31 =	rddreg [dreg:$0x6];
	s30 =	spop (v2sf)  }
0x1d0: {  	s4 =	sxor.u32 $0x80000000, s31;
	s1 =	ssub.f32 s30, s26  }
0x1d1: {  	v30 =	vmov s4;
	s17 =	sxor.u32 $0x80000000, s11;
	v31 =	vsub.f32 $1.000000000e+00, v2;
	v14 =	vbroadcast v28, $0xF  }
0x1d2: {  	v36 =	vmov s17;
	vm0 =	veq.s32 v30, v0;
	v20 =	vpop (erf);
	v19 =	vmov s1  }
0x1d3: {  	s20 =	sxor.u32 $0x80000000, s13;
	v17 =	vnsel vm0, $0x0, v31;
	vm0 =	veq.f32 v13, v14;
	v32 =	vpop (erf);
	v19 =	vmul.f32 $1.442695020e+00, v19  }
0x1d4: {  	v37 =	vmov s20;
	v13 =	vnsel vm0, $0x80000010, v1;
	v18 =	vadd.f32 $1.000000000e+00, v32  }
0x1d5: {  	v44 =	vsub.f32 $1.000000000e+00, v7;
	v40 =	vsub.f32 $1.000000000e+00, v4;
	s7 =	rddreg [dreg:$0x9];
	(xrf0) =	vmin.scan.msk.u32 $0xffff, v13;
	v34 =	vbroadcast v19, $0x0  }
0x1d6: {  	v41 =	vsub.f32 $1.000000000e+00, v5;
	v43 =	vsub.f32 $1.000000000e+00, v6;
	s4 =	sxor.u32 $0x80000000, s7;
	s9 =	rddreg [dreg:$0xb];
	(erf) = vrcp.f32 v18  }
0x1d7: {  	s23 =	sxor.u32 $0x80000000, s14;
	v46 =	vsub.f32 $1.000000000e+00, v8;
	v22 =	vmov s4;
	s4 =	sxor.u32 $0x80000000, s9;
	v28 =	vld [tilespmem:$0x1FFF0];
	(erf) = vpow2.f32 v34  }
0x1d8: {  	s18 =	sxor.u32 $0x80000000, s12;
	v49 =	vsub.f32 $1.000000000e+00, v9;
	v38 =	vmov s23;
	v23 =	vmov s4;
	s0 =	sxor.u32 $0x80000000, s0  }
0x1d9: {  	s21 =	sxor.u32 $0x80000000, s15;
	v53 =	vsub.f32 $1.000000000e+00, v63;
	v59 =	vmov s0;
	v24 =	vmov s18  }
0x1da: {  	s5 =	rddreg [dreg:$0x7];
	s22 =	sxor.u32 $0x80000000, s19;
	v26 =	vsub.f32 $1.000000000e+00, v3;
	v25 =	vmov s21;
	v55 =	vsub.f32 $1.000000000e+00, v15  }
0x1db: {  	s6 =	rddreg [dreg:$0x8];
	v27 =	vmov s22;
	v52 =	vsub.f32 $1.000000000e+00, v60;
	v56 =	vsub.f32 $1.000000000e+00, v16;
	v42, _, _ =	vpop (xrf0);
	s1 =	sxor.u32 $0x80000000, s5  }
0x1dc: {  	s8 =	rddreg [dreg:$0xa];
	vm0 =	vnez.u8 v28;
	(v2sf) =	vpush v42, $0xF;
	v33 =	vmov s1;
	s1 =	sxor.u32 $0x80000000, s6  }
0x1dd: {  	v2 =	vsel vm0, v2, v17;
	v21 =	vmov s1;
	s1 =	sxor.u32 $0x80000000, s8;
	vm0 =	veq.s32 v33, v0  }
0x1de: {  	v35 =	vmov s1;
	v39 =	vnsel vm0, $0x0, v26;
	vm0 =	veq.s32 v21, v0  }
0x1df: {  	v3 =	vsel vm1, v3, v39;
	v26 =	vnsel vm0, $0x0, v40;
	vm0 =	veq.s32 v22, v0;
	v45 =	vpop (erf)  }
0x1e0: {  	v4 =	vsel vm2, v4, v26;
	v17 =	vnsel vm0, $0x0, v41;
	vm0 =	veq.s32 v35, v0;
	v47 =	vpop (erf)  }
0x1e1: {  	[tilespmem:$0x880] =	vst v3;
	v3 =	vsub.f32 $1.000000000e+00, v54;
	v21 =	vnsel vm0, $0x0, v43;
	v18 =	vadd.f32 $1.000000000e+00, v47  }
0x1e2: {  	v5 =	vsel vm3, v5, v17;
	vm0 =	veq.s32 v23, v0;
	v6 =	vsel vm4, v6, v21  }
0x1e3: {  	[tilespmem:$0x800] =	vst v2;
	v17 =	vnsel vm0, $0x0, v44;
	vm4 =	veq.s32 v36, v0;
	(erf) = vrcp.f32 v18  }
0x1e4: {  	[tilespmem:$0x900] =	vst v4;
	v48 =	vnsel vm4, $0x0, v46;
	v7 =	vsel vm5, v7, v17;
	vm5 =	veq.s32 v24, v0  }
0x1e5: {  	[tilespmem:$0x980] =	vst v5;
	v2 =	vsel vm6, v8, v48;
	v50 =	vnsel vm5, $0x0, v49;
	vm6 =	veq.s32 v37, v0  }
0x1e6: {  	[tilespmem:$0xA00] =	vst v6;
	v51 =	vsel vm7, v9, v50;
	v3 =	vnsel vm6, $0x0, v3;
	vm7 =	veq.s32 v25, v0  }
0x1e7: {  	s24 =	sxor.u32 $0x80000000, s16;
	v58 =	vsub.f32 $1.000000000e+00, v20;
	[tilespmem:$0xA80] =	vst v7;
	v3 =	vsel vm8, v54, v3;
	v54 =	vnsel vm7, $0x0, v52  }
0x1e8: {  	s25 =	sxor.u32 $0x80000000, s2;
	[tilespmem:$0xB00] =	vst v2;
	v2 =	vmov s24;
	vm8 =	veq.s32 v27, v0;
	v6 =	vsel vm9, v60, v54  }
0x1e9: {  	v5 =	vnsel vm8, $0x0, v53;
	vm9 =	veq.s32 v38, v0;
	[tilespmem:$0xC00] =	vst v3;
	v3 =	vmov s25  }
0x1ea: {  	[tilespmem:$0xB80] =	vst v51;
	v5 =	vsel vm10, v63, v5;
	v57 =	vnsel vm9, $0x0, v55;
	vm10 =	veq.s32 v2, v0  }
0x1eb: {  	[tilespmem:$0xC80] =	vst v6;
	v2 =	vnsel vm10, $0x0, v56;
	v4 =	vsel vm11, v15, v57;
	vm11 =	veq.s32 v3, v0;
	s26 =	spop (v2sf)  }
0x1ec: {  	v60 =	vsub.f32 $1.000000000e+00, v45;
	[tilespmem:$0xD00] =	vst v5;
	v2 =	vsel vm12, v16, v2;
	v3 =	vnsel vm11, $0x0, v58;
	s28 =	sxor.u32 $0x80000000, s26;
	v61 =	vpop (erf)  }
0x1ed: {  	[tilespmem:$0xD80] =	vst v4;
	vm12 =	veq.s32 v59, v0;
	v62 =	vmov s28;
	v63 =	vsub.f32 $1.000000000e+00, v61  }
0x1ee: {  	v3 =	vsel vm13, v20, v3;
	[tilespmem:$0xE00] =	vst v2;
	v2 =	vnsel vm12, $0x0, v60;
	vm13 =	veq.s32 v62, v0  }
0x1ef: {  	v2 =	vsel vm14, v45, v2;
	[tilespmem:$0xE80] =	vst v3;
	v3 =	vnsel vm13, $0x0, v63  }
0x1f0: {  	p0 =	sne.s32 s3, $0x1;
	s29 =	rddreg [dreg:$0x4];
	[tilespmem:$0xF00] =	vst v2;
	v2 =	vsel vm15, v61, v3  }
.Ltmp0:
0x1f1: {  	s31 =	simm.s32 $0x0;
	s30 =	rddreg [dreg:$0x5];
	[tilespmem:$0xF80] =	vst v2;
	(pc) =	sbr.rel @p0 .LBB2_1-.Ltmp0, $4  }
0x1f2: {  	[hbm4b:s29+s31] =	stream.linear.scatter [tilespmem:s30], [sflag:$0x1], $0x800, $0x38;
	[tilespmem:$0x1000] =	vst v63  }
0x1f3: {  	_ =	swait.ge [sflag:s10], $0x800  }
0x1f4: {  	[sflag:s10] =	ssyncset.done $0x0  }
0x1f5: {  	s3 =	sadd.s32 $0xFFFFFFFF, s3;
	[sflag:s10] =	ssyncadd.s32 $0xFFFFF800  }
0x1f6: {  	_ =	sfence.sel $0x180000  }
0x1f7: {  	[bflag:$0x0] =	sbarrier.arrive $0xFFFF  }
0x1f8: {  	_ =	strace $0x90000047  }
0x1f9: {  	s0 =	stileid.u32;
	[bflag:$0x2] =	sbarrier.arrive $0xFFFF  }
0x1fa: {  	p0 =	sne.s32 s0, $0x0;
	s0 =	rddreg [dreg:$0x2]  }
0x1fb: {  	s0 =	sadd.s32 @!p0 $0x100000, s0  }
0x1fc: {  	[sflag:s0] =	ssyncadd.tile.s32 @!p0 $0x1;
	_ =	shalt  }
.Lfunc_end2:
_tile_overlayer_lowered:
.L_overlay_start_2:
0x1fd: {  	(tag) =	ssettag $0x2  }
0x1fe: {  	s0 =	rddreg [dreg:$0x0];
	s2 =	stileid.u32  }
0x1ff: {  	s1 =	rddreg [dreg:$0x1];
	p0 =	sne.s32 s2, $0x0  }
0x200: {  	s3 =	rddreg [dreg:$0x2];
	[bflag:$0x3] =	sbarrier.arrive $0xFFFF;
	s2 =	simm.s32 @!p0 $0x1C01  }
0x201: {  	[timem:s3], [sflag:s2] =	dma.local @!p0 [hbm:s0], s1  }
0x202: {  	s0 =	simm.s32 @!p0 $0x1  }
0x203: {  	_ =	swait.ge @!p0 [sflag:s0], s1  }
0x204: {  	s1 =	ssub.s32 @!p0 $0x0, s1;
	[sflag:s0] =	ssyncset.done @!p0 $0x0  }
0x205: {  	[sflag:s0] =	ssyncadd.s32 @!p0 s1  }
0x206: {  	[bflag:$0x3] =	sbarrier.arrive $0xFFFF  }
0x207: {  	_ =	shalt  }

</sc_bundles>
